<compile_context>
chip_gen: v7x
topology: tpu7x:2x2x1
jax: 0.10.2.dev20260603
libtpu: 0.0.44.dev20260713+nightly
codegen_flags: <defaults>
</compile_context>

<pallas_src>
import functools

import jax
import jax.numpy as jnp
from jax import lax
from jax.experimental import pallas as pl
from jax.experimental.pallas import tpu as pltpu
from jax.experimental.pallas import tpu_sc as plsc

NC = 2
NS = 16
NW = NC * NS
L = 16
CH = 80


def _sc_aggregate(Np, D, E, x_neigh, src2, dst4):
    e_per_w = E // NW
    n_ch = e_per_w // CH
    n_pair = n_ch // 2
    tail = n_ch % 2
    rows_per_tile = Np // NS
    n_stage = rows_per_tile // CH

    mesh = plsc.VectorSubcoreMesh(core_axis_name="c", subcore_axis_name="s")

    @functools.partial(
        pl.kernel,
        out_type=[
            jax.ShapeDtypeStruct((NC, Np, D), jnp.float32),
            jax.ShapeDtypeStruct((NW, Np), jnp.float32),
        ],
        mesh=mesh,
        compiler_params=pltpu.CompilerParams(needs_layout_passes=False),
        scratch_types=[
            pltpu.VMEM((CH,), jnp.int32),
            pltpu.VMEM((CH,), jnp.int32),
            pltpu.VMEM((e_per_w,), jnp.int32),
            pltpu.VMEM((CH, D), jnp.float32),
            pltpu.VMEM((CH, D), jnp.float32),
            pltpu.VMEM((Np,), jnp.float32),
            pltpu.VMEM_SHARED((Np, D), jnp.float32),
            pltpu.SemaphoreType.DMA,
            pltpu.SemaphoreType.DMA,
            pltpu.SemaphoreType.DMA,
            pltpu.SemaphoreType.DMA,
            pltpu.SemaphoreType.DMA,
            pltpu.SemaphoreType.DMA,
        ],
    )
    def agg(x_hbm, src_hbm, dst_hbm, out_sums, out_cnt,
            i0, i1, idx_d, rows0, rows1, hist, acc_sums,
            semg0, semg1, sems0, sems1, semi0, semi1):
        c = lax.axis_index("c")
        s = lax.axis_index("s")
        wid = c * NS + s
        r0 = s * rows_per_tile
        zeros16 = jnp.zeros((L,), jnp.float32)
        ones16 = jnp.ones((L,), jnp.float32)

        base = wid * e_per_w
        pltpu.sync_copy(dst_hbm.at[pl.ds(base, e_per_w)], idx_d)

        def z_rows(i, _):
            for j in range(D // L):
                rows0[i, pl.ds(j * L, L)] = zeros16
            return 0
        lax.fori_loop(0, CH, z_rows, 0)

        def z_hist(i, _):
            hist[pl.ds(i * L, L)] = zeros16
            return 0
        lax.fori_loop(0, Np // L, z_hist, 0)

        for k in range(n_stage):
            pltpu.async_copy(rows0, acc_sums.at[pl.ds(r0 + k * CH, CH)], semg0)
        for k in range(n_stage):
            pltpu.make_async_copy(rows0, acc_sums.at[pl.ds(r0 + k * CH, CH)],
                                  semg0).wait()

        plsc.subcore_barrier()

        def do_hist(i):
            for j in range(CH // L):
                idx = idx_d[pl.ds(i * CH + j * L, L)]
                plsc.addupdate_scatter(hist, [idx], ones16)

        def pf_idx(i, ibuf, sem):
            return pltpu.async_copy(src_hbm.at[pl.ds(base + i * CH, CH)],
                                    ibuf, sem)

        def gather(ibuf, buf, sem):
            return pltpu.async_copy(x_hbm.at[ibuf], buf, sem)

        def scatter(i, buf, sem):
            return pltpu.async_copy(buf, acc_sums.at[idx_d.at[pl.ds(i * CH, CH)]],
                                    sem, add=True)

        last = n_ch - 1

        def wait_gather(ibuf, buf, sem):
            pltpu.make_async_copy(x_hbm.at[ibuf], buf, sem).wait()

        pf_idx(0, i0, semi0).wait()
        pf_idx(1, i1, semi1).wait()
        gather(i0, rows0, semg0)
        gather(i1, rows1, semg1)

        def pair(g, _):
            i = 2 * g
            wait_gather(i0, rows0, semg0)
            dp0 = pf_idx(jnp.minimum(i + 2, last), i0, semi0)
            ds0 = scatter(i, rows0, sems0)
            do_hist(i)
            wait_gather(i1, rows1, semg1)
            dp1 = pf_idx(jnp.minimum(i + 3, last), i1, semi1)
            ds1 = scatter(i + 1, rows1, sems1)
            do_hist(i + 1)
            ds0.wait()
            dp0.wait()
            gather(i0, rows0, semg0)
            ds1.wait()
            dp1.wait()
            gather(i1, rows1, semg1)
            return 0
        lax.fori_loop(0, n_pair, pair, 0)

        if tail:
            i = n_ch - 1
            wait_gather(i0, rows0, semg0)
            ds0 = scatter(i, rows0, sems0)
            do_hist(i)
            ds0.wait()
            wait_gather(i1, rows1, semg1)

        plsc.subcore_barrier()

        def wout(k, _):
            rr = r0 + k * CH
            pltpu.sync_copy(acc_sums.at[pl.ds(rr, CH)], rows0)
            pltpu.sync_copy(rows0, out_sums.at[c, pl.ds(rr, CH)])
            return 0
        lax.fori_loop(0, n_stage, wout, 0)
        pltpu.sync_copy(hist, out_cnt.at[wid])

    return agg(x_neigh, src2, dst4)


def _dense_body(x_ref, sums_ref, cnt_ref, wst_ref, wnt_ref, out_ref):
    ssum = sums_ref[0] + sums_ref[1]
    cnt = lax.dot_general(cnt_ref[...], jnp.ones((NW, 1), jnp.float32),
                          (((0,), (0,)), ((), ())),
                          preferred_element_type=jnp.float32)
    h = ssum / jnp.maximum(cnt, 1.0)
    z = (jnp.dot(x_ref[...], wst_ref[...],
                 preferred_element_type=jnp.float32)
         + jnp.dot(h, wnt_ref[...],
                   preferred_element_type=jnp.float32))
    z = jnp.maximum(z, 0.0)
    nrm = jnp.sqrt(jnp.sum(z * z, axis=1, keepdims=True))
    out_ref[...] = z / jnp.where(nrm == 0.0, 1.0, nrm)


def _tc_dense(N, D, x_self, sums2, cnt2, WsT, WnT):
    bn = 1024
    grid = (N + bn - 1) // bn
    return pl.pallas_call(
        _dense_body,
        grid=(grid,),
        in_specs=[
            pl.BlockSpec((bn, D), lambda i: (i, 0)),
            pl.BlockSpec((NC, bn, D), lambda i: (0, i, 0)),
            pl.BlockSpec((NW, bn), lambda i: (0, i)),
            pl.BlockSpec((D, D), lambda i: (0, 0)),
            pl.BlockSpec((D, D), lambda i: (0, 0)),
        ],
        out_specs=pl.BlockSpec((bn, D), lambda i: (i, 0)),
        out_shape=jax.ShapeDtypeStruct((N, D), jnp.float32),
    )(x_self, sums2, cnt2, WsT, WnT)


def kernel(x_neigh, x_self, edge_index, W_self, W_neigh):
    N, D = x_neigh.shape
    E = edge_index.shape[1]
    e_per_w = E // NW
    n_ch = e_per_w // CH
    src2 = edge_index[0]
    dst4 = edge_index[1]
    Np = ((N + 16 * CH - 1) // (16 * CH)) * (16 * CH)
    sums2, cnt2 = _sc_aggregate(Np, D, E, x_neigh, src2, dst4)
    return _tc_dense(N, D, x_self, sums2, cnt2, W_self.T, W_neigh.T)

# --- scband reference (transcript-rebuilt; emitter-appended) ---
"""Pipeline reference for scband-conv-model-35304631173416 (READ-ONLY COPY).

The authoritative reference and input builder live on the scoring server;
editing this copy changes nothing except your own understanding.
"""

import jax, jax.numpy as jnp
import numpy as np

N = 10000
E = 320000
D = 128

def _xavier(key, shape, gain):
    fan_in, fan_out = shape[1], shape[0]
    a = gain * np.sqrt(6.0 / (fan_in + fan_out))
    return jax.random.uniform(key, shape, dtype=jnp.float32, minval=-a, maxval=a)

def setup_inputs(seed: int = 0) -> dict:
    key = jax.random.key(seed)
    k1, k2, k3, k4, k5 = jax.random.split(key, 5)
    gain = np.sqrt(2.0)  # relu gain
    x_neigh = jax.random.normal(k1, (N, D), dtype=jnp.float32)
    x_self = jax.random.normal(k2, (N, D), dtype=jnp.float32)
    edge_index = jax.random.randint(k3, (2, E), 0, N, dtype=jnp.int32)
    W_self = _xavier(k4, (D, D), gain)
    W_neigh = _xavier(k5, (D, D), gain)
    return {"x_neigh": x_neigh, "x_self": x_self, "edge_index": edge_index, "W_self": W_self, "W_neigh": W_neigh}

def reference(x_neigh, x_self, edge_index, W_self, W_neigh):
    # ConvLayer forward: dropout(p=0) -> copy_src messages -> mean aggregate -> fc_self + fc_neigh -> relu -> L2 normalize
    src = edge_index[0]
    dst = edge_index[1]
    msgs = jnp.take(x_neigh, src, axis=0)                      # gather: copy_src('h','m')
    sums = jax.ops.segment_sum(msgs, dst, num_segments=N)       # scatter-add
    ones = jnp.ones((E, 1), dtype=jnp.float32)
    counts = jax.ops.segment_sum(ones, dst, num_segments=N)
    h_neigh = sums / jnp.maximum(counts, 1.0)                   # mean aggregation
    z = jax.nn.relu(x_self @ W_self.T + h_neigh @ W_neigh.T)
    x_norm = jnp.linalg.norm(z, ord=2, axis=1, keepdims=True)
    x_norm = jnp.where(x_norm == 0, jnp.asarray(1.0, z.dtype), x_norm)
    return z / x_norm

if __name__ == "__main__":
    import jax
    _d = setup_inputs()
    print(jax.jit(kernel)(*tuple(_d.values())))

</pallas_src>

<mosaic_0001>
#map = affine_map<(d0, d1) -> (0, 0)>
#map1 = affine_map<(d0, d1) -> (0)>
#map2 = affine_map<(d0, d1) -> (0, 0, 0)>
module attributes {stable_mosaic.version = 14 : i64} {
  func.func @agg(%arg0: i32, %arg1: i32, %arg2: memref<10000x128xf32, #tpu.memory_space<hbm>>, %arg3: memref<320000xi32, #tpu.memory_space<hbm>>, %arg4: memref<320000xi32, #tpu.memory_space<hbm>>, %arg5: memref<2x10240x128xf32, #tpu.memory_space<hbm>>, %arg6: memref<32x10240xf32, #tpu.memory_space<hbm>>, %arg7: memref<80xi32, #tpu.memory_space<vmem>>, %arg8: memref<80xi32, #tpu.memory_space<vmem>>, %arg9: memref<10000xi32, #tpu.memory_space<vmem>>, %arg10: memref<80x128xf32, #tpu.memory_space<vmem>>, %arg11: memref<80x128xf32, #tpu.memory_space<vmem>>, %arg12: memref<10240xf32, #tpu.memory_space<vmem>>, %arg13: memref<10240x128xf32, #tpu.memory_space<vmem_shared>>, %arg14: memref<!tpu.dma_semaphore, #tpu.memory_space<semaphore_mem>>, %arg15: memref<!tpu.dma_semaphore, #tpu.memory_space<semaphore_mem>>, %arg16: memref<!tpu.dma_semaphore, #tpu.memory_space<semaphore_mem>>, %arg17: memref<!tpu.dma_semaphore, #tpu.memory_space<semaphore_mem>>, %arg18: memref<!tpu.dma_semaphore, #tpu.memory_space<semaphore_mem>>, %arg19: memref<!tpu.dma_semaphore, #tpu.memory_space<semaphore_mem>>) attributes {dimension_semantics = [#tpu.dimension_semantics<core_parallel>, #tpu.dimension_semantics<subcore_parallel>], iteration_bounds = array<i64: 2, 16>, scalar_prefetch = 0 : i64, scratch_operands = 13 : i64, tpu.core_type = #tpu.core_type<sc_vector_subcore>, window_params = [{transform_indices = #map}, {transform_indices = #map1}, {transform_indices = #map1}, {transform_indices = #map2}, {transform_indices = #map}]} {
    %mul3A = arith.constant 16 : i32
    %mul3A_0 = arith.muli %arg0, %mul3A : i32
    %add3A = arith.addi %mul3A_0, %arg1 : i32
    %mul3A_1 = arith.constant 640 : i32
    %mul3A_2 = arith.muli %arg1, %mul3A_1 : i32
    %broadcast_in_dim3A = arith.constant 0.000000e+00 : f32
    %broadcast_in_dim3A_3 = vector.broadcast %broadcast_in_dim3A : f32 to vector<16xf32>
    %broadcast_in_dim3A_4 = arith.constant 1.000000e+00 : f32
    %broadcast_in_dim3A_5 = vector.broadcast %broadcast_in_dim3A_4 : f32 to vector<16xf32>
    %mul3A_6 = arith.constant 10000 : i32
    %mul3A_7 = arith.muli %add3A, %mul3A_6 : i32
    "tpu.region"() ({
      %run_scoped3A = tpu.sem_alloc : memref<!tpu.dma_semaphore, #tpu.memory_space<semaphore_mem>>
      %dma_start3A_173 = tpu.memref_slice %arg4[%mul3A_7] : memref<320000xi32, #tpu.memory_space<hbm>> -> memref<10000xi32, #tpu.memory_space<hbm>>
      %dma_start3A_174 = tpu.memref_slice %arg4[%mul3A_7] : memref<320000xi32, #tpu.memory_space<hbm>> -> memref<10000xi32, #tpu.memory_space<hbm>>
      tpu.enqueue_dma source(%dma_start3A_174 : memref<10000xi32, #tpu.memory_space<hbm>>) target(%arg9 : memref<10000xi32, #tpu.memory_space<vmem>>) target_semaphore(%run_scoped3A : memref<!tpu.dma_semaphore, #tpu.memory_space<semaphore_mem>>)
      %dma_wait3A_175 = tpu.memref_slice %arg4[%mul3A_7] : memref<320000xi32, #tpu.memory_space<hbm>> -> memref<10000xi32, #tpu.memory_space<hbm>>
      %dma_wait3A_176 = tpu.memref_slice %arg4[%mul3A_7] : memref<320000xi32, #tpu.memory_space<hbm>> -> memref<10000xi32, #tpu.memory_space<hbm>>
      tpu.wait_dma2 semaphore(%run_scoped3A : memref<!tpu.dma_semaphore, #tpu.memory_space<semaphore_mem>>) src(%dma_wait3A_176 : memref<10000xi32, #tpu.memory_space<hbm>>) dst(%arg9 : memref<10000xi32, #tpu.memory_space<vmem>>)
      tpu.yield
    }) : () -> ()
    %scan3A = arith.constant 0 : i32
    %scan3A_8 = arith.constant 0 : i32
    %scan3A_9 = arith.constant 80 : i32
    %scan3A_10 = arith.addi %scan3A_8, %scan3A_9 : i32
    %scan3A_11 = arith.constant 1 : i32
    %scan3A_12 = scf.for %scan3A_173 = %scan3A_8 to %scan3A_10 step %scan3A_11 iter_args(%scan3A_174 = %scan3A) -> (i32)  : i32 {
      %swap3A = arith.index_cast %scan3A_173 : i32 to index
      %swap3A_175 = arith.constant 0 : index
      %swap3A_176 = tpu.vector_load %arg10[%swap3A, %swap3A_175] {strides = array<i32>} : memref<80x128xf32, #tpu.memory_space<vmem>>, vector<16xf32>,
      tpu.vector_store %arg10[%swap3A, %swap3A_175], %broadcast_in_dim3A_3 {strides = array<i32>} : memref<80x128xf32, #tpu.memory_space<vmem>>, vector<16xf32>,
      %swap3A_177 = arith.index_cast %scan3A_173 : i32 to index
      %swap3A_178 = arith.constant 16 : index
      %swap3A_179 = tpu.vector_load %arg10[%swap3A_177, %swap3A_178] {strides = array<i32>} : memref<80x128xf32, #tpu.memory_space<vmem>>, vector<16xf32>,
      tpu.vector_store %arg10[%swap3A_177, %swap3A_178], %broadcast_in_dim3A_3 {strides = array<i32>} : memref<80x128xf32, #tpu.memory_space<vmem>>, vector<16xf32>,
      %swap3A_180 = arith.index_cast %scan3A_173 : i32 to index
      %swap3A_181 = arith.constant 32 : index
      %swap3A_182 = tpu.vector_load %arg10[%swap3A_180, %swap3A_181] {strides = array<i32>} : memref<80x128xf32, #tpu.memory_space<vmem>>, vector<16xf32>,
      tpu.vector_store %arg10[%swap3A_180, %swap3A_181], %broadcast_in_dim3A_3 {strides = array<i32>} : memref<80x128xf32, #tpu.memory_space<vmem>>, vector<16xf32>,
      %swap3A_183 = arith.index_cast %scan3A_173 : i32 to index
      %swap3A_184 = arith.constant 48 : index
      %swap3A_185 = tpu.vector_load %arg10[%swap3A_183, %swap3A_184] {strides = array<i32>} : memref<80x128xf32, #tpu.memory_space<vmem>>, vector<16xf32>,
      tpu.vector_store %arg10[%swap3A_183, %swap3A_184], %broadcast_in_dim3A_3 {strides = array<i32>} : memref<80x128xf32, #tpu.memory_space<vmem>>, vector<16xf32>,
      %swap3A_186 = arith.index_cast %scan3A_173 : i32 to index
      %swap3A_187 = arith.constant 64 : index
      %swap3A_188 = tpu.vector_load %arg10[%swap3A_186, %swap3A_187] {strides = array<i32>} : memref<80x128xf32, #tpu.memory_space<vmem>>, vector<16xf32>,
      tpu.vector_store %arg10[%swap3A_186, %swap3A_187], %broadcast_in_dim3A_3 {strides = array<i32>} : memref<80x128xf32, #tpu.memory_space<vmem>>, vector<16xf32>,
      %swap3A_189 = arith.index_cast %scan3A_173 : i32 to index
      %swap3A_190 = arith.constant 80 : index
      %swap3A_191 = tpu.vector_load %arg10[%swap3A_189, %swap3A_190] {strides = array<i32>} : memref<80x128xf32, #tpu.memory_space<vmem>>, vector<16xf32>,
      tpu.vector_store %arg10[%swap3A_189, %swap3A_190], %broadcast_in_dim3A_3 {strides = array<i32>} : memref<80x128xf32, #tpu.memory_space<vmem>>, vector<16xf32>,
      %swap3A_192 = arith.index_cast %scan3A_173 : i32 to index
      %swap3A_193 = arith.constant 96 : index
      %swap3A_194 = tpu.vector_load %arg10[%swap3A_192, %swap3A_193] {strides = array<i32>} : memref<80x128xf32, #tpu.memory_space<vmem>>, vector<16xf32>,
      tpu.vector_store %arg10[%swap3A_192, %swap3A_193], %broadcast_in_dim3A_3 {strides = array<i32>} : memref<80x128xf32, #tpu.memory_space<vmem>>, vector<16xf32>,
      %swap3A_195 = arith.index_cast %scan3A_173 : i32 to index
      %swap3A_196 = arith.constant 112 : index
      %swap3A_197 = tpu.vector_load %arg10[%swap3A_195, %swap3A_196] {strides = array<i32>} : memref<80x128xf32, #tpu.memory_space<vmem>>, vector<16xf32>,
      tpu.vector_store %arg10[%swap3A_195, %swap3A_196], %broadcast_in_dim3A_3 {strides = array<i32>} : memref<80x128xf32, #tpu.memory_space<vmem>>, vector<16xf32>,
      %scan3A_198 = arith.constant 0 : i32
      scf.yield %scan3A_198 : i32
    }
    %scan3A_13 = arith.constant 80 : i32
    %scan3A_14 = arith.constant 0 : i32
    %scan3A_15 = arith.constant 0 : i32
    %scan3A_16 = arith.constant 640 : i32
    %scan3A_17 = arith.addi %scan3A_15, %scan3A_16 : i32
    %scan3A_18 = arith.constant 1 : i32
    %scan3A_19 = scf.for %scan3A_173 = %scan3A_15 to %scan3A_17 step %scan3A_18 iter_args(%scan3A_174 = %scan3A_14) -> (i32)  : i32 {
      %mul3A_175 = arith.constant 16 : i32
      %mul3A_176 = arith.muli %scan3A_173, %mul3A_175 : i32
      %swap3A = arith.index_cast %mul3A_176 : i32 to index
      %swap3A_177 = tpu.vector_load %arg12[%swap3A] {strides = array<i32>} : memref<10240xf32, #tpu.memory_space<vmem>>, vector<16xf32>,
      tpu.vector_store %arg12[%swap3A], %broadcast_in_dim3A_3 {strides = array<i32>} : memref<10240xf32, #tpu.memory_space<vmem>>, vector<16xf32>,
      %scan3A_178 = arith.constant 0 : i32
      scf.yield %scan3A_178 : i32
    }
    %scan3A_20 = arith.constant 640 : i32
    %add3A_21 = arith.constant 0 : i32
    %add3A_22 = arith.addi %mul3A_2, %add3A_21 : i32
    %dma_start3A = arith.constant 0 : i32
    %dma_start3A_23 = tpu.memref_slice %arg13[%add3A_22, %dma_start3A] : memref<10240x128xf32, #tpu.memory_space<vmem_shared>> -> memref<80x128xf32, #tpu.memory_space<vmem_shared>>
    %dma_start3A_24 = arith.constant 0 : i32
    %dma_start3A_25 = tpu.memref_slice %arg13[%add3A_22, %dma_start3A_24] : memref<10240x128xf32, #tpu.memory_space<vmem_shared>> -> memref<80x128xf32, #tpu.memory_space<vmem_shared>>
    tpu.enqueue_dma source(%arg10 : memref<80x128xf32, #tpu.memory_space<vmem>>) target(%dma_start3A_25 : memref<80x128xf32, #tpu.memory_space<vmem_shared>>) target_semaphore(%arg14 : memref<!tpu.dma_semaphore, #tpu.memory_space<semaphore_mem>>)
    %add3A_26 = arith.constant 80 : i32
    %add3A_27 = arith.addi %mul3A_2, %add3A_26 : i32
    %dma_start3A_28 = arith.constant 0 : i32
    %dma_start3A_29 = tpu.memref_slice %arg13[%add3A_27, %dma_start3A_28] : memref<10240x128xf32, #tpu.memory_space<vmem_shared>> -> memref<80x128xf32, #tpu.memory_space<vmem_shared>>
    %dma_start3A_30 = arith.constant 0 : i32
    %dma_start3A_31 = tpu.memref_slice %arg13[%add3A_27, %dma_start3A_30] : memref<10240x128xf32, #tpu.memory_space<vmem_shared>> -> memref<80x128xf32, #tpu.memory_space<vmem_shared>>
    tpu.enqueue_dma source(%arg10 : memref<80x128xf32, #tpu.memory_space<vmem>>) target(%dma_start3A_31 : memref<80x128xf32, #tpu.memory_space<vmem_shared>>) target_semaphore(%arg14 : memref<!tpu.dma_semaphore, #tpu.memory_space<semaphore_mem>>)
    %add3A_32 = arith.constant 160 : i32
    %add3A_33 = arith.addi %mul3A_2, %add3A_32 : i32
    %dma_start3A_34 = arith.constant 0 : i32
    %dma_start3A_35 = tpu.memref_slice %arg13[%add3A_33, %dma_start3A_34] : memref<10240x128xf32, #tpu.memory_space<vmem_shared>> -> memref<80x128xf32, #tpu.memory_space<vmem_shared>>
    %dma_start3A_36 = arith.constant 0 : i32
    %dma_start3A_37 = tpu.memref_slice %arg13[%add3A_33, %dma_start3A_36] : memref<10240x128xf32, #tpu.memory_space<vmem_shared>> -> memref<80x128xf32, #tpu.memory_space<vmem_shared>>
    tpu.enqueue_dma source(%arg10 : memref<80x128xf32, #tpu.memory_space<vmem>>) target(%dma_start3A_37 : memref<80x128xf32, #tpu.memory_space<vmem_shared>>) target_semaphore(%arg14 : memref<!tpu.dma_semaphore, #tpu.memory_space<semaphore_mem>>)
    %add3A_38 = arith.constant 240 : i32
    %add3A_39 = arith.addi %mul3A_2, %add3A_38 : i32
    %dma_start3A_40 = arith.constant 0 : i32
    %dma_start3A_41 = tpu.memref_slice %arg13[%add3A_39, %dma_start3A_40] : memref<10240x128xf32, #tpu.memory_space<vmem_shared>> -> memref<80x128xf32, #tpu.memory_space<vmem_shared>>
    %dma_start3A_42 = arith.constant 0 : i32
    %dma_start3A_43 = tpu.memref_slice %arg13[%add3A_39, %dma_start3A_42] : memref<10240x128xf32, #tpu.memory_space<vmem_shared>> -> memref<80x128xf32, #tpu.memory_space<vmem_shared>>
    tpu.enqueue_dma source(%arg10 : memref<80x128xf32, #tpu.memory_space<vmem>>) target(%dma_start3A_43 : memref<80x128xf32, #tpu.memory_space<vmem_shared>>) target_semaphore(%arg14 : memref<!tpu.dma_semaphore, #tpu.memory_space<semaphore_mem>>)
    %add3A_44 = arith.constant 320 : i32
    %add3A_45 = arith.addi %mul3A_2, %add3A_44 : i32
    %dma_start3A_46 = arith.constant 0 : i32
    %dma_start3A_47 = tpu.memref_slice %arg13[%add3A_45, %dma_start3A_46] : memref<10240x128xf32, #tpu.memory_space<vmem_shared>> -> memref<80x128xf32, #tpu.memory_space<vmem_shared>>
    %dma_start3A_48 = arith.constant 0 : i32
    %dma_start3A_49 = tpu.memref_slice %arg13[%add3A_45, %dma_start3A_48] : memref<10240x128xf32, #tpu.memory_space<vmem_shared>> -> memref<80x128xf32, #tpu.memory_space<vmem_shared>>
    tpu.enqueue_dma source(%arg10 : memref<80x128xf32, #tpu.memory_space<vmem>>) target(%dma_start3A_49 : memref<80x128xf32, #tpu.memory_space<vmem_shared>>) target_semaphore(%arg14 : memref<!tpu.dma_semaphore, #tpu.memory_space<semaphore_mem>>)
    %add3A_50 = arith.constant 400 : i32
    %add3A_51 = arith.addi %mul3A_2, %add3A_50 : i32
    %dma_start3A_52 = arith.constant 0 : i32
    %dma_start3A_53 = tpu.memref_slice %arg13[%add3A_51, %dma_start3A_52] : memref<10240x128xf32, #tpu.memory_space<vmem_shared>> -> memref<80x128xf32, #tpu.memory_space<vmem_shared>>
    %dma_start3A_54 = arith.constant 0 : i32
    %dma_start3A_55 = tpu.memref_slice %arg13[%add3A_51, %dma_start3A_54] : memref<10240x128xf32, #tpu.memory_space<vmem_shared>> -> memref<80x128xf32, #tpu.memory_space<vmem_shared>>
    tpu.enqueue_dma source(%arg10 : memref<80x128xf32, #tpu.memory_space<vmem>>) target(%dma_start3A_55 : memref<80x128xf32, #tpu.memory_space<vmem_shared>>) target_semaphore(%arg14 : memref<!tpu.dma_semaphore, #tpu.memory_space<semaphore_mem>>)
    %add3A_56 = arith.constant 480 : i32
    %add3A_57 = arith.addi %mul3A_2, %add3A_56 : i32
    %dma_start3A_58 = arith.constant 0 : i32
    %dma_start3A_59 = tpu.memref_slice %arg13[%add3A_57, %dma_start3A_58] : memref<10240x128xf32, #tpu.memory_space<vmem_shared>> -> memref<80x128xf32, #tpu.memory_space<vmem_shared>>
    %dma_start3A_60 = arith.constant 0 : i32
    %dma_start3A_61 = tpu.memref_slice %arg13[%add3A_57, %dma_start3A_60] : memref<10240x128xf32, #tpu.memory_space<vmem_shared>> -> memref<80x128xf32, #tpu.memory_space<vmem_shared>>
    tpu.enqueue_dma source(%arg10 : memref<80x128xf32, #tpu.memory_space<vmem>>) target(%dma_start3A_61 : memref<80x128xf32, #tpu.memory_space<vmem_shared>>) target_semaphore(%arg14 : memref<!tpu.dma_semaphore, #tpu.memory_space<semaphore_mem>>)
    %add3A_62 = arith.constant 560 : i32
    %add3A_63 = arith.addi %mul3A_2, %add3A_62 : i32
    %dma_start3A_64 = arith.constant 0 : i32
    %dma_start3A_65 = tpu.memref_slice %arg13[%add3A_63, %dma_start3A_64] : memref<10240x128xf32, #tpu.memory_space<vmem_shared>> -> memref<80x128xf32, #tpu.memory_space<vmem_shared>>
    %dma_start3A_66 = arith.constant 0 : i32
    %dma_start3A_67 = tpu.memref_slice %arg13[%add3A_63, %dma_start3A_66] : memref<10240x128xf32, #tpu.memory_space<vmem_shared>> -> memref<80x128xf32, #tpu.memory_space<vmem_shared>>
    tpu.enqueue_dma source(%arg10 : memref<80x128xf32, #tpu.memory_space<vmem>>) target(%dma_start3A_67 : memref<80x128xf32, #tpu.memory_space<vmem_shared>>) target_semaphore(%arg14 : memref<!tpu.dma_semaphore, #tpu.memory_space<semaphore_mem>>)
    %add3A_68 = arith.constant 0 : i32
    %add3A_69 = arith.addi %mul3A_2, %add3A_68 : i32
    %dma_wait3A = arith.constant 0 : i32
    %dma_wait3A_70 = tpu.memref_slice %arg13[%add3A_69, %dma_wait3A] : memref<10240x128xf32, #tpu.memory_space<vmem_shared>> -> memref<80x128xf32, #tpu.memory_space<vmem_shared>>
    %dma_wait3A_71 = arith.constant 0 : i32
    %dma_wait3A_72 = tpu.memref_slice %arg13[%add3A_69, %dma_wait3A_71] : memref<10240x128xf32, #tpu.memory_space<vmem_shared>> -> memref<80x128xf32, #tpu.memory_space<vmem_shared>>
    tpu.wait_dma2 semaphore(%arg14 : memref<!tpu.dma_semaphore, #tpu.memory_space<semaphore_mem>>) src(%arg10 : memref<80x128xf32, #tpu.memory_space<vmem>>) dst(%dma_wait3A_72 : memref<80x128xf32, #tpu.memory_space<vmem_shared>>)
    %add3A_73 = arith.constant 80 : i32
    %add3A_74 = arith.addi %mul3A_2, %add3A_73 : i32
    %dma_wait3A_75 = arith.constant 0 : i32
    %dma_wait3A_76 = tpu.memref_slice %arg13[%add3A_74, %dma_wait3A_75] : memref<10240x128xf32, #tpu.memory_space<vmem_shared>> -> memref<80x128xf32, #tpu.memory_space<vmem_shared>>
    %dma_wait3A_77 = arith.constant 0 : i32
    %dma_wait3A_78 = tpu.memref_slice %arg13[%add3A_74, %dma_wait3A_77] : memref<10240x128xf32, #tpu.memory_space<vmem_shared>> -> memref<80x128xf32, #tpu.memory_space<vmem_shared>>
    tpu.wait_dma2 semaphore(%arg14 : memref<!tpu.dma_semaphore, #tpu.memory_space<semaphore_mem>>) src(%arg10 : memref<80x128xf32, #tpu.memory_space<vmem>>) dst(%dma_wait3A_78 : memref<80x128xf32, #tpu.memory_space<vmem_shared>>)
    %add3A_79 = arith.constant 160 : i32
    %add3A_80 = arith.addi %mul3A_2, %add3A_79 : i32
    %dma_wait3A_81 = arith.constant 0 : i32
    %dma_wait3A_82 = tpu.memref_slice %arg13[%add3A_80, %dma_wait3A_81] : memref<10240x128xf32, #tpu.memory_space<vmem_shared>> -> memref<80x128xf32, #tpu.memory_space<vmem_shared>>
    %dma_wait3A_83 = arith.constant 0 : i32
    %dma_wait3A_84 = tpu.memref_slice %arg13[%add3A_80, %dma_wait3A_83] : memref<10240x128xf32, #tpu.memory_space<vmem_shared>> -> memref<80x128xf32, #tpu.memory_space<vmem_shared>>
    tpu.wait_dma2 semaphore(%arg14 : memref<!tpu.dma_semaphore, #tpu.memory_space<semaphore_mem>>) src(%arg10 : memref<80x128xf32, #tpu.memory_space<vmem>>) dst(%dma_wait3A_84 : memref<80x128xf32, #tpu.memory_space<vmem_shared>>)
    %add3A_85 = arith.constant 240 : i32
    %add3A_86 = arith.addi %mul3A_2, %add3A_85 : i32
    %dma_wait3A_87 = arith.constant 0 : i32
    %dma_wait3A_88 = tpu.memref_slice %arg13[%add3A_86, %dma_wait3A_87] : memref<10240x128xf32, #tpu.memory_space<vmem_shared>> -> memref<80x128xf32, #tpu.memory_space<vmem_shared>>
    %dma_wait3A_89 = arith.constant 0 : i32
    %dma_wait3A_90 = tpu.memref_slice %arg13[%add3A_86, %dma_wait3A_89] : memref<10240x128xf32, #tpu.memory_space<vmem_shared>> -> memref<80x128xf32, #tpu.memory_space<vmem_shared>>
    tpu.wait_dma2 semaphore(%arg14 : memref<!tpu.dma_semaphore, #tpu.memory_space<semaphore_mem>>) src(%arg10 : memref<80x128xf32, #tpu.memory_space<vmem>>) dst(%dma_wait3A_90 : memref<80x128xf32, #tpu.memory_space<vmem_shared>>)
    %add3A_91 = arith.constant 320 : i32
    %add3A_92 = arith.addi %mul3A_2, %add3A_91 : i32
    %dma_wait3A_93 = arith.constant 0 : i32
    %dma_wait3A_94 = tpu.memref_slice %arg13[%add3A_92, %dma_wait3A_93] : memref<10240x128xf32, #tpu.memory_space<vmem_shared>> -> memref<80x128xf32, #tpu.memory_space<vmem_shared>>
    %dma_wait3A_95 = arith.constant 0 : i32
    %dma_wait3A_96 = tpu.memref_slice %arg13[%add3A_92, %dma_wait3A_95] : memref<10240x128xf32, #tpu.memory_space<vmem_shared>> -> memref<80x128xf32, #tpu.memory_space<vmem_shared>>
    tpu.wait_dma2 semaphore(%arg14 : memref<!tpu.dma_semaphore, #tpu.memory_space<semaphore_mem>>) src(%arg10 : memref<80x128xf32, #tpu.memory_space<vmem>>) dst(%dma_wait3A_96 : memref<80x128xf32, #tpu.memory_space<vmem_shared>>)
    %add3A_97 = arith.constant 400 : i32
    %add3A_98 = arith.addi %mul3A_2, %add3A_97 : i32
    %dma_wait3A_99 = arith.constant 0 : i32
    %dma_wait3A_100 = tpu.memref_slice %arg13[%add3A_98, %dma_wait3A_99] : memref<10240x128xf32, #tpu.memory_space<vmem_shared>> -> memref<80x128xf32, #tpu.memory_space<vmem_shared>>
    %dma_wait3A_101 = arith.constant 0 : i32
    %dma_wait3A_102 = tpu.memref_slice %arg13[%add3A_98, %dma_wait3A_101] : memref<10240x128xf32, #tpu.memory_space<vmem_shared>> -> memref<80x128xf32, #tpu.memory_space<vmem_shared>>
    tpu.wait_dma2 semaphore(%arg14 : memref<!tpu.dma_semaphore, #tpu.memory_space<semaphore_mem>>) src(%arg10 : memref<80x128xf32, #tpu.memory_space<vmem>>) dst(%dma_wait3A_102 : memref<80x128xf32, #tpu.memory_space<vmem_shared>>)
    %add3A_103 = arith.constant 480 : i32
    %add3A_104 = arith.addi %mul3A_2, %add3A_103 : i32
    %dma_wait3A_105 = arith.constant 0 : i32
    %dma_wait3A_106 = tpu.memref_slice %arg13[%add3A_104, %dma_wait3A_105] : memref<10240x128xf32, #tpu.memory_space<vmem_shared>> -> memref<80x128xf32, #tpu.memory_space<vmem_shared>>
    %dma_wait3A_107 = arith.constant 0 : i32
    %dma_wait3A_108 = tpu.memref_slice %arg13[%add3A_104, %dma_wait3A_107] : memref<10240x128xf32, #tpu.memory_space<vmem_shared>> -> memref<80x128xf32, #tpu.memory_space<vmem_shared>>
    tpu.wait_dma2 semaphore(%arg14 : memref<!tpu.dma_semaphore, #tpu.memory_space<semaphore_mem>>) src(%arg10 : memref<80x128xf32, #tpu.memory_space<vmem>>) dst(%dma_wait3A_108 : memref<80x128xf32, #tpu.memory_space<vmem_shared>>)
    %add3A_109 = arith.constant 560 : i32
    %add3A_110 = arith.addi %mul3A_2, %add3A_109 : i32
    %dma_wait3A_111 = arith.constant 0 : i32
    %dma_wait3A_112 = tpu.memref_slice %arg13[%add3A_110, %dma_wait3A_111] : memref<10240x128xf32, #tpu.memory_space<vmem_shared>> -> memref<80x128xf32, #tpu.memory_space<vmem_shared>>
    %dma_wait3A_113 = arith.constant 0 : i32
    %dma_wait3A_114 = tpu.memref_slice %arg13[%add3A_110, %dma_wait3A_113] : memref<10240x128xf32, #tpu.memory_space<vmem_shared>> -> memref<80x128xf32, #tpu.memory_space<vmem_shared>>
    tpu.wait_dma2 semaphore(%arg14 : memref<!tpu.dma_semaphore, #tpu.memory_space<semaphore_mem>>) src(%arg10 : memref<80x128xf32, #tpu.memory_space<vmem>>) dst(%dma_wait3A_114 : memref<80x128xf32, #tpu.memory_space<vmem_shared>>)
    %barrier3A = arith.constant 0 : index
    tpu.barrier barrier_id(%barrier3A)
    %add3A_115 = arith.constant 0 : i32
    %add3A_116 = arith.addi %mul3A_7, %add3A_115 : i32
    %dma_start3A_117 = tpu.memref_slice %arg3[%add3A_116] : memref<320000xi32, #tpu.memory_space<hbm>> -> memref<80xi32, #tpu.memory_space<hbm>>
    %dma_start3A_118 = tpu.memref_slice %arg3[%add3A_116] : memref<320000xi32, #tpu.memory_space<hbm>> -> memref<80xi32, #tpu.memory_space<hbm>>
    tpu.enqueue_dma source(%dma_start3A_118 : memref<80xi32, #tpu.memory_space<hbm>>) target(%arg7 : memref<80xi32, #tpu.memory_space<vmem>>) target_semaphore(%arg18 : memref<!tpu.dma_semaphore, #tpu.memory_space<semaphore_mem>>)
    %dma_wait3A_119 = tpu.memref_slice %arg3[%add3A_116] : memref<320000xi32, #tpu.memory_space<hbm>> -> memref<80xi32, #tpu.memory_space<hbm>>
    %dma_wait3A_120 = tpu.memref_slice %arg3[%add3A_116] : memref<320000xi32, #tpu.memory_space<hbm>> -> memref<80xi32, #tpu.memory_space<hbm>>
    tpu.wait_dma2 semaphore(%arg18 : memref<!tpu.dma_semaphore, #tpu.memory_space<semaphore_mem>>) src(%dma_wait3A_120 : memref<80xi32, #tpu.memory_space<hbm>>) dst(%arg7 : memref<80xi32, #tpu.memory_space<vmem>>)
    %add3A_121 = arith.constant 80 : i32
    %add3A_122 = arith.addi %mul3A_7, %add3A_121 : i32
    %dma_start3A_123 = tpu.memref_slice %arg3[%add3A_122] : memref<320000xi32, #tpu.memory_space<hbm>> -> memref<80xi32, #tpu.memory_space<hbm>>
    %dma_start3A_124 = tpu.memref_slice %arg3[%add3A_122] : memref<320000xi32, #tpu.memory_space<hbm>> -> memref<80xi32, #tpu.memory_space<hbm>>
    tpu.enqueue_dma source(%dma_start3A_124 : memref<80xi32, #tpu.memory_space<hbm>>) target(%arg8 : memref<80xi32, #tpu.memory_space<vmem>>) target_semaphore(%arg19 : memref<!tpu.dma_semaphore, #tpu.memory_space<semaphore_mem>>)
    %dma_wait3A_125 = tpu.memref_slice %arg3[%add3A_122] : memref<320000xi32, #tpu.memory_space<hbm>> -> memref<80xi32, #tpu.memory_space<hbm>>
    %dma_wait3A_126 = tpu.memref_slice %arg3[%add3A_122] : memref<320000xi32, #tpu.memory_space<hbm>> -> memref<80xi32, #tpu.memory_space<hbm>>
    tpu.wait_dma2 semaphore(%arg19 : memref<!tpu.dma_semaphore, #tpu.memory_space<semaphore_mem>>) src(%dma_wait3A_126 : memref<80xi32, #tpu.memory_space<hbm>>) dst(%arg8 : memref<80xi32, #tpu.memory_space<vmem>>)
    %dma_start3A_127 = arith.constant 0 : i32
    %dma_start3A_128 = arith.constant 0 : i32
    %dma_start3A_129 = tpu.memref_slice %arg2[%dma_start3A_127, %dma_start3A_128] : memref<10000x128xf32, #tpu.memory_space<hbm>> -> memref<10000x128xf32, #tpu.memory_space<hbm>>
    tpu.enqueue_indirect_dma source(%dma_start3A_129 : memref<10000x128xf32, #tpu.memory_space<hbm>>) target(%arg10 : memref<80x128xf32, #tpu.memory_space<vmem>>) offsets(%arg7 : memref<80xi32, #tpu.memory_space<vmem>>) semaphore(%arg14 : memref<!tpu.dma_semaphore, #tpu.memory_space<semaphore_mem>>)
    %dma_start3A_130 = arith.constant 0 : i32
    %dma_start3A_131 = arith.constant 0 : i32
    %dma_start3A_132 = tpu.memref_slice %arg2[%dma_start3A_130, %dma_start3A_131] : memref<10000x128xf32, #tpu.memory_space<hbm>> -> memref<10000x128xf32, #tpu.memory_space<hbm>>
    tpu.enqueue_indirect_dma source(%dma_start3A_132 : memref<10000x128xf32, #tpu.memory_space<hbm>>) target(%arg11 : memref<80x128xf32, #tpu.memory_space<vmem>>) offsets(%arg8 : memref<80xi32, #tpu.memory_space<vmem>>) semaphore(%arg15 : memref<!tpu.dma_semaphore, #tpu.memory_space<semaphore_mem>>)
    %scan3A_133 = arith.constant 0 : i32
    %scan3A_134 = arith.constant 0 : i32
    %scan3A_135 = arith.constant 62 : i32
    %scan3A_136 = arith.addi %scan3A_134, %scan3A_135 : i32
    %scan3A_137 = arith.constant 1 : i32
    %scan3A_138 = scf.for %scan3A_173 = %scan3A_134 to %scan3A_136 step %scan3A_137 iter_args(%scan3A_174 = %scan3A_133) -> (i32)  : i32 {
      %mul3A_175 = arith.constant 2 : i32
      %mul3A_176 = arith.muli %mul3A_175, %scan3A_173 : i32
      %dma_wait3A_177 = arith.constant 0 : i32
      %dma_wait3A_178 = arith.constant 0 : i32
      %dma_wait3A_179 = tpu.memref_slice %arg2[%dma_wait3A_177, %dma_wait3A_178] : memref<10000x128xf32, #tpu.memory_space<hbm>> -> memref<10000x128xf32, #tpu.memory_space<hbm>>
      tpu.wait_indirect_dma semaphore(%arg14 : memref<!tpu.dma_semaphore, #tpu.memory_space<semaphore_mem>>) src(%dma_wait3A_179 : memref<10000x128xf32, #tpu.memory_space<hbm>>) dst(%arg10 : memref<80x128xf32, #tpu.memory_space<vmem>>)
      %add3A_180 = arith.constant 2 : i32
      %add3A_181 = arith.addi %mul3A_176, %add3A_180 : i32
      %min3A = arith.constant 124 : i32
      %min3A_182 = arith.minsi %add3A_181, %min3A : i32
      %mul3A_183 = arith.constant 80 : i32
      %mul3A_184 = arith.muli %min3A_182, %mul3A_183 : i32
      %add3A_185 = arith.addi %mul3A_7, %mul3A_184 : i32
      %dma_start3A_186 = tpu.memref_slice %arg3[%add3A_185] : memref<320000xi32, #tpu.memory_space<hbm>> -> memref<80xi32, #tpu.memory_space<hbm>>
      %dma_start3A_187 = tpu.memref_slice %arg3[%add3A_185] : memref<320000xi32, #tpu.memory_space<hbm>> -> memref<80xi32, #tpu.memory_space<hbm>>
      tpu.enqueue_dma source(%dma_start3A_187 : memref<80xi32, #tpu.memory_space<hbm>>) target(%arg7 : memref<80xi32, #tpu.memory_space<vmem>>) target_semaphore(%arg18 : memref<!tpu.dma_semaphore, #tpu.memory_space<semaphore_mem>>)
      %mul3A_188 = arith.constant 80 : i32
      %mul3A_189 = arith.muli %mul3A_176, %mul3A_188 : i32
      %dma_start3A_190 = tpu.memref_slice %arg9[%mul3A_189] : memref<10000xi32, #tpu.memory_space<vmem>> -> memref<80xi32, #tpu.memory_space<vmem>>
      %dma_start3A_191 = arith.constant 0 : i32
      %dma_start3A_192 = arith.constant 0 : i32
      %dma_start3A_193 = tpu.memref_slice %arg13[%dma_start3A_191, %dma_start3A_192] : memref<10240x128xf32, #tpu.memory_space<vmem_shared>> -> memref<10240x128xf32, #tpu.memory_space<vmem_shared>>
      tpu.enqueue_indirect_dma source(%arg10 : memref<80x128xf32, #tpu.memory_space<vmem>>) target(%dma_start3A_193 : memref<10240x128xf32, #tpu.memory_space<vmem_shared>>) offsets(%dma_start3A_190 : memref<80xi32, #tpu.memory_space<vmem>>) semaphore(%arg16 : memref<!tpu.dma_semaphore, #tpu.memory_space<semaphore_mem>>) {add = true}
      %mul3A_194 = arith.constant 80 : i32
      %mul3A_195 = arith.muli %mul3A_176, %mul3A_194 : i32
      %add3A_196 = arith.constant 0 : i32
      %add3A_197 = arith.addi %mul3A_195, %add3A_196 : i32
      %get3A_198 = arith.index_cast %add3A_197 : i32 to index
      %get3A_199 = tpu.vector_load %arg9[%get3A_198] {strides = array<i32>} : memref<10000xi32, #tpu.memory_space<vmem>>, vector<16xi32>,
      tpu.vector_store_idx %arg12[%get3A_199], %broadcast_in_dim3A_5 {add = true} : memref<10240xf32, #tpu.memory_space<vmem>>[vector<16xi32>], vector<16xf32>,
      %mul3A_200 = arith.constant 80 : i32
      %mul3A_201 = arith.muli %mul3A_176, %mul3A_200 : i32
      %add3A_202 = arith.constant 16 : i32
      %add3A_203 = arith.addi %mul3A_201, %add3A_202 : i32
      %get3A_204 = arith.index_cast %add3A_203 : i32 to index
      %get3A_205 = tpu.vector_load %arg9[%get3A_204] {strides = array<i32>} : memref<10000xi32, #tpu.memory_space<vmem>>, vector<16xi32>,
      tpu.vector_store_idx %arg12[%get3A_205], %broadcast_in_dim3A_5 {add = true} : memref<10240xf32, #tpu.memory_space<vmem>>[vector<16xi32>], vector<16xf32>,
      %mul3A_206 = arith.constant 80 : i32
      %mul3A_207 = arith.muli %mul3A_176, %mul3A_206 : i32
      %add3A_208 = arith.constant 32 : i32
      %add3A_209 = arith.addi %mul3A_207, %add3A_208 : i32
      %get3A_210 = arith.index_cast %add3A_209 : i32 to index
      %get3A_211 = tpu.vector_load %arg9[%get3A_210] {strides = array<i32>} : memref<10000xi32, #tpu.memory_space<vmem>>, vector<16xi32>,
      tpu.vector_store_idx %arg12[%get3A_211], %broadcast_in_dim3A_5 {add = true} : memref<10240xf32, #tpu.memory_space<vmem>>[vector<16xi32>], vector<16xf32>,
      %mul3A_212 = arith.constant 80 : i32
      %mul3A_213 = arith.muli %mul3A_176, %mul3A_212 : i32
      %add3A_214 = arith.constant 48 : i32
      %add3A_215 = arith.addi %mul3A_213, %add3A_214 : i32
      %get3A_216 = arith.index_cast %add3A_215 : i32 to index
      %get3A_217 = tpu.vector_load %arg9[%get3A_216] {strides = array<i32>} : memref<10000xi32, #tpu.memory_space<vmem>>, vector<16xi32>,
      tpu.vector_store_idx %arg12[%get3A_217], %broadcast_in_dim3A_5 {add = true} : memref<10240xf32, #tpu.memory_space<vmem>>[vector<16xi32>], vector<16xf32>,
      %mul3A_218 = arith.constant 80 : i32
      %mul3A_219 = arith.muli %mul3A_176, %mul3A_218 : i32
      %add3A_220 = arith.constant 64 : i32
      %add3A_221 = arith.addi %mul3A_219, %add3A_220 : i32
      %get3A_222 = arith.index_cast %add3A_221 : i32 to index
      %get3A_223 = tpu.vector_load %arg9[%get3A_222] {strides = array<i32>} : memref<10000xi32, #tpu.memory_space<vmem>>, vector<16xi32>,
      tpu.vector_store_idx %arg12[%get3A_223], %broadcast_in_dim3A_5 {add = true} : memref<10240xf32, #tpu.memory_space<vmem>>[vector<16xi32>], vector<16xf32>,
      %dma_wait3A_224 = arith.constant 0 : i32
      %dma_wait3A_225 = arith.constant 0 : i32
      %dma_wait3A_226 = tpu.memref_slice %arg2[%dma_wait3A_224, %dma_wait3A_225] : memref<10000x128xf32, #tpu.memory_space<hbm>> -> memref<10000x128xf32, #tpu.memory_space<hbm>>
      tpu.wait_indirect_dma semaphore(%arg15 : memref<!tpu.dma_semaphore, #tpu.memory_space<semaphore_mem>>) src(%dma_wait3A_226 : memref<10000x128xf32, #tpu.memory_space<hbm>>) dst(%arg11 : memref<80x128xf32, #tpu.memory_space<vmem>>)
      %add3A_227 = arith.constant 3 : i32
      %add3A_228 = arith.addi %mul3A_176, %add3A_227 : i32
      %min3A_229 = arith.constant 124 : i32
      %min3A_230 = arith.minsi %add3A_228, %min3A_229 : i32
      %mul3A_231 = arith.constant 80 : i32
      %mul3A_232 = arith.muli %min3A_230, %mul3A_231 : i32
      %add3A_233 = arith.addi %mul3A_7, %mul3A_232 : i32
      %dma_start3A_234 = tpu.memref_slice %arg3[%add3A_233] : memref<320000xi32, #tpu.memory_space<hbm>> -> memref<80xi32, #tpu.memory_space<hbm>>
      %dma_start3A_235 = tpu.memref_slice %arg3[%add3A_233] : memref<320000xi32, #tpu.memory_space<hbm>> -> memref<80xi32, #tpu.memory_space<hbm>>
      tpu.enqueue_dma source(%dma_start3A_235 : memref<80xi32, #tpu.memory_space<hbm>>) target(%arg8 : memref<80xi32, #tpu.memory_space<vmem>>) target_semaphore(%arg19 : memref<!tpu.dma_semaphore, #tpu.memory_space<semaphore_mem>>)
      %add3A_236 = arith.constant 1 : i32
      %add3A_237 = arith.addi %mul3A_176, %add3A_236 : i32
      %mul3A_238 = arith.constant 80 : i32
      %mul3A_239 = arith.muli %add3A_237, %mul3A_238 : i32
      %dma_start3A_240 = tpu.memref_slice %arg9[%mul3A_239] : memref<10000xi32, #tpu.memory_space<vmem>> -> memref<80xi32, #tpu.memory_space<vmem>>
      %dma_start3A_241 = arith.constant 0 : i32
      %dma_start3A_242 = arith.constant 0 : i32
      %dma_start3A_243 = tpu.memref_slice %arg13[%dma_start3A_241, %dma_start3A_242] : memref<10240x128xf32, #tpu.memory_space<vmem_shared>> -> memref<10240x128xf32, #tpu.memory_space<vmem_shared>>
      tpu.enqueue_indirect_dma source(%arg11 : memref<80x128xf32, #tpu.memory_space<vmem>>) target(%dma_start3A_243 : memref<10240x128xf32, #tpu.memory_space<vmem_shared>>) offsets(%dma_start3A_240 : memref<80xi32, #tpu.memory_space<vmem>>) semaphore(%arg17 : memref<!tpu.dma_semaphore, #tpu.memory_space<semaphore_mem>>) {add = true}
      %add3A_244 = arith.constant 1 : i32
      %add3A_245 = arith.addi %mul3A_176, %add3A_244 : i32
      %mul3A_246 = arith.constant 80 : i32
      %mul3A_247 = arith.muli %add3A_245, %mul3A_246 : i32
      %add3A_248 = arith.constant 0 : i32
      %add3A_249 = arith.addi %mul3A_247, %add3A_248 : i32
      %get3A_250 = arith.index_cast %add3A_249 : i32 to index
      %get3A_251 = tpu.vector_load %arg9[%get3A_250] {strides = array<i32>} : memref<10000xi32, #tpu.memory_space<vmem>>, vector<16xi32>,
      tpu.vector_store_idx %arg12[%get3A_251], %broadcast_in_dim3A_5 {add = true} : memref<10240xf32, #tpu.memory_space<vmem>>[vector<16xi32>], vector<16xf32>,
      %mul3A_252 = arith.constant 80 : i32
      %mul3A_253 = arith.muli %add3A_245, %mul3A_252 : i32
      %add3A_254 = arith.constant 16 : i32
      %add3A_255 = arith.addi %mul3A_253, %add3A_254 : i32
      %get3A_256 = arith.index_cast %add3A_255 : i32 to index
      %get3A_257 = tpu.vector_load %arg9[%get3A_256] {strides = array<i32>} : memref<10000xi32, #tpu.memory_space<vmem>>, vector<16xi32>,
      tpu.vector_store_idx %arg12[%get3A_257], %broadcast_in_dim3A_5 {add = true} : memref<10240xf32, #tpu.memory_space<vmem>>[vector<16xi32>], vector<16xf32>,
      %mul3A_258 = arith.constant 80 : i32
      %mul3A_259 = arith.muli %add3A_245, %mul3A_258 : i32
      %add3A_260 = arith.constant 32 : i32
      %add3A_261 = arith.addi %mul3A_259, %add3A_260 : i32
      %get3A_262 = arith.index_cast %add3A_261 : i32 to index
      %get3A_263 = tpu.vector_load %arg9[%get3A_262] {strides = array<i32>} : memref<10000xi32, #tpu.memory_space<vmem>>, vector<16xi32>,
      tpu.vector_store_idx %arg12[%get3A_263], %broadcast_in_dim3A_5 {add = true} : memref<10240xf32, #tpu.memory_space<vmem>>[vector<16xi32>], vector<16xf32>,
      %mul3A_264 = arith.constant 80 : i32
      %mul3A_265 = arith.muli %add3A_245, %mul3A_264 : i32
      %add3A_266 = arith.constant 48 : i32
      %add3A_267 = arith.addi %mul3A_265, %add3A_266 : i32
      %get3A_268 = arith.index_cast %add3A_267 : i32 to index
      %get3A_269 = tpu.vector_load %arg9[%get3A_268] {strides = array<i32>} : memref<10000xi32, #tpu.memory_space<vmem>>, vector<16xi32>,
      tpu.vector_store_idx %arg12[%get3A_269], %broadcast_in_dim3A_5 {add = true} : memref<10240xf32, #tpu.memory_space<vmem>>[vector<16xi32>], vector<16xf32>,
      %mul3A_270 = arith.constant 80 : i32
      %mul3A_271 = arith.muli %add3A_245, %mul3A_270 : i32
      %add3A_272 = arith.constant 64 : i32
      %add3A_273 = arith.addi %mul3A_271, %add3A_272 : i32
      %get3A_274 = arith.index_cast %add3A_273 : i32 to index
      %get3A_275 = tpu.vector_load %arg9[%get3A_274] {strides = array<i32>} : memref<10000xi32, #tpu.memory_space<vmem>>, vector<16xi32>,
      tpu.vector_store_idx %arg12[%get3A_275], %broadcast_in_dim3A_5 {add = true} : memref<10240xf32, #tpu.memory_space<vmem>>[vector<16xi32>], vector<16xf32>,
      %dma_wait3A_276 = tpu.memref_slice %arg9[%mul3A_189] : memref<10000xi32, #tpu.memory_space<vmem>> -> memref<80xi32, #tpu.memory_space<vmem>>
      %dma_wait3A_277 = arith.constant 0 : i32
      %dma_wait3A_278 = arith.constant 0 : i32
      %dma_wait3A_279 = tpu.memref_slice %arg13[%dma_wait3A_277, %dma_wait3A_278] : memref<10240x128xf32, #tpu.memory_space<vmem_shared>> -> memref<10240x128xf32, #tpu.memory_space<vmem_shared>>
      tpu.wait_indirect_dma semaphore(%arg16 : memref<!tpu.dma_semaphore, #tpu.memory_space<semaphore_mem>>) src(%arg10 : memref<80x128xf32, #tpu.memory_space<vmem>>) dst(%dma_wait3A_279 : memref<10240x128xf32, #tpu.memory_space<vmem_shared>>)
      %dma_wait3A_280 = tpu.memref_slice %arg3[%add3A_185] : memref<320000xi32, #tpu.memory_space<hbm>> -> memref<80xi32, #tpu.memory_space<hbm>>
      %dma_wait3A_281 = tpu.memref_slice %arg3[%add3A_185] : memref<320000xi32, #tpu.memory_space<hbm>> -> memref<80xi32, #tpu.memory_space<hbm>>
      tpu.wait_dma2 semaphore(%arg18 : memref<!tpu.dma_semaphore, #tpu.memory_space<semaphore_mem>>) src(%dma_wait3A_281 : memref<80xi32, #tpu.memory_space<hbm>>) dst(%arg7 : memref<80xi32, #tpu.memory_space<vmem>>)
      %dma_start3A_282 = arith.constant 0 : i32
      %dma_start3A_283 = arith.constant 0 : i32
      %dma_start3A_284 = tpu.memref_slice %arg2[%dma_start3A_282, %dma_start3A_283] : memref<10000x128xf32, #tpu.memory_space<hbm>> -> memref<10000x128xf32, #tpu.memory_space<hbm>>
      tpu.enqueue_indirect_dma source(%dma_start3A_284 : memref<10000x128xf32, #tpu.memory_space<hbm>>) target(%arg10 : memref<80x128xf32, #tpu.memory_space<vmem>>) offsets(%arg7 : memref<80xi32, #tpu.memory_space<vmem>>) semaphore(%arg14 : memref<!tpu.dma_semaphore, #tpu.memory_space<semaphore_mem>>)
      %dma_wait3A_285 = tpu.memref_slice %arg9[%mul3A_239] : memref<10000xi32, #tpu.memory_space<vmem>> -> memref<80xi32, #tpu.memory_space<vmem>>
      %dma_wait3A_286 = arith.constant 0 : i32
      %dma_wait3A_287 = arith.constant 0 : i32
      %dma_wait3A_288 = tpu.memref_slice %arg13[%dma_wait3A_286, %dma_wait3A_287] : memref<10240x128xf32, #tpu.memory_space<vmem_shared>> -> memref<10240x128xf32, #tpu.memory_space<vmem_shared>>
      tpu.wait_indirect_dma semaphore(%arg17 : memref<!tpu.dma_semaphore, #tpu.memory_space<semaphore_mem>>) src(%arg11 : memref<80x128xf32, #tpu.memory_space<vmem>>) dst(%dma_wait3A_288 : memref<10240x128xf32, #tpu.memory_space<vmem_shared>>)
      %dma_wait3A_289 = tpu.memref_slice %arg3[%add3A_233] : memref<320000xi32, #tpu.memory_space<hbm>> -> memref<80xi32, #tpu.memory_space<hbm>>
      %dma_wait3A_290 = tpu.memref_slice %arg3[%add3A_233] : memref<320000xi32, #tpu.memory_space<hbm>> -> memref<80xi32, #tpu.memory_space<hbm>>
      tpu.wait_dma2 semaphore(%arg19 : memref<!tpu.dma_semaphore, #tpu.memory_space<semaphore_mem>>) src(%dma_wait3A_290 : memref<80xi32, #tpu.memory_space<hbm>>) dst(%arg8 : memref<80xi32, #tpu.memory_space<vmem>>)
      %dma_start3A_291 = arith.constant 0 : i32
      %dma_start3A_292 = arith.constant 0 : i32
      %dma_start3A_293 = tpu.memref_slice %arg2[%dma_start3A_291, %dma_start3A_292] : memref<10000x128xf32, #tpu.memory_space<hbm>> -> memref<10000x128xf32, #tpu.memory_space<hbm>>
      tpu.enqueue_indirect_dma source(%dma_start3A_293 : memref<10000x128xf32, #tpu.memory_space<hbm>>) target(%arg11 : memref<80x128xf32, #tpu.memory_space<vmem>>) offsets(%arg8 : memref<80xi32, #tpu.memory_space<vmem>>) semaphore(%arg15 : memref<!tpu.dma_semaphore, #tpu.memory_space<semaphore_mem>>)
      %scan3A_294 = arith.constant 0 : i32
      scf.yield %scan3A_294 : i32
    }
    %scan3A_139 = arith.constant 62 : i32
    %dma_wait3A_140 = arith.constant 0 : i32
    %dma_wait3A_141 = arith.constant 0 : i32
    %dma_wait3A_142 = tpu.memref_slice %arg2[%dma_wait3A_140, %dma_wait3A_141] : memref<10000x128xf32, #tpu.memory_space<hbm>> -> memref<10000x128xf32, #tpu.memory_space<hbm>>
    tpu.wait_indirect_dma semaphore(%arg14 : memref<!tpu.dma_semaphore, #tpu.memory_space<semaphore_mem>>) src(%dma_wait3A_142 : memref<10000x128xf32, #tpu.memory_space<hbm>>) dst(%arg10 : memref<80x128xf32, #tpu.memory_space<vmem>>)
    %dma_start3A_143 = arith.constant 9920 : i32
    %dma_start3A_144 = tpu.memref_slice %arg9[%dma_start3A_143] : memref<10000xi32, #tpu.memory_space<vmem>> -> memref<80xi32, #tpu.memory_space<vmem>>
    %dma_start3A_145 = arith.constant 0 : i32
    %dma_start3A_146 = arith.constant 0 : i32
    %dma_start3A_147 = tpu.memref_slice %arg13[%dma_start3A_145, %dma_start3A_146] : memref<10240x128xf32, #tpu.memory_space<vmem_shared>> -> memref<10240x128xf32, #tpu.memory_space<vmem_shared>>
    tpu.enqueue_indirect_dma source(%arg10 : memref<80x128xf32, #tpu.memory_space<vmem>>) target(%dma_start3A_147 : memref<10240x128xf32, #tpu.memory_space<vmem_shared>>) offsets(%dma_start3A_144 : memref<80xi32, #tpu.memory_space<vmem>>) semaphore(%arg16 : memref<!tpu.dma_semaphore, #tpu.memory_space<semaphore_mem>>) {add = true}
    %get3A = arith.constant 9920 : index
    %get3A_148 = tpu.vector_load %arg9[%get3A] {strides = array<i32>} : memref<10000xi32, #tpu.memory_space<vmem>>, vector<16xi32>,
    tpu.vector_store_idx %arg12[%get3A_148], %broadcast_in_dim3A_5 {add = true} : memref<10240xf32, #tpu.memory_space<vmem>>[vector<16xi32>], vector<16xf32>,
    %get3A_149 = arith.constant 9936 : index
    %get3A_150 = tpu.vector_load %arg9[%get3A_149] {strides = array<i32>} : memref<10000xi32, #tpu.memory_space<vmem>>, vector<16xi32>,
    tpu.vector_store_idx %arg12[%get3A_150], %broadcast_in_dim3A_5 {add = true} : memref<10240xf32, #tpu.memory_space<vmem>>[vector<16xi32>], vector<16xf32>,
    %get3A_151 = arith.constant 9952 : index
    %get3A_152 = tpu.vector_load %arg9[%get3A_151] {strides = array<i32>} : memref<10000xi32, #tpu.memory_space<vmem>>, vector<16xi32>,
    tpu.vector_store_idx %arg12[%get3A_152], %broadcast_in_dim3A_5 {add = true} : memref<10240xf32, #tpu.memory_space<vmem>>[vector<16xi32>], vector<16xf32>,
    %get3A_153 = arith.constant 9968 : index
    %get3A_154 = tpu.vector_load %arg9[%get3A_153] {strides = array<i32>} : memref<10000xi32, #tpu.memory_space<vmem>>, vector<16xi32>,
    tpu.vector_store_idx %arg12[%get3A_154], %broadcast_in_dim3A_5 {add = true} : memref<10240xf32, #tpu.memory_space<vmem>>[vector<16xi32>], vector<16xf32>,
    %get3A_155 = arith.constant 9984 : index
    %get3A_156 = tpu.vector_load %arg9[%get3A_155] {strides = array<i32>} : memref<10000xi32, #tpu.memory_space<vmem>>, vector<16xi32>,
    tpu.vector_store_idx %arg12[%get3A_156], %broadcast_in_dim3A_5 {add = true} : memref<10240xf32, #tpu.memory_space<vmem>>[vector<16xi32>], vector<16xf32>,
    %dma_wait3A_157 = arith.constant 9920 : i32
    %dma_wait3A_158 = tpu.memref_slice %arg9[%dma_wait3A_157] : memref<10000xi32, #tpu.memory_space<vmem>> -> memref<80xi32, #tpu.memory_space<vmem>>
    %dma_wait3A_159 = arith.constant 0 : i32
    %dma_wait3A_160 = arith.constant 0 : i32
    %dma_wait3A_161 = tpu.memref_slice %arg13[%dma_wait3A_159, %dma_wait3A_160] : memref<10240x128xf32, #tpu.memory_space<vmem_shared>> -> memref<10240x128xf32, #tpu.memory_space<vmem_shared>>
    tpu.wait_indirect_dma semaphore(%arg16 : memref<!tpu.dma_semaphore, #tpu.memory_space<semaphore_mem>>) src(%arg10 : memref<80x128xf32, #tpu.memory_space<vmem>>) dst(%dma_wait3A_161 : memref<10240x128xf32, #tpu.memory_space<vmem_shared>>)
    %dma_wait3A_162 = arith.constant 0 : i32
    %dma_wait3A_163 = arith.constant 0 : i32
    %dma_wait3A_164 = tpu.memref_slice %arg2[%dma_wait3A_162, %dma_wait3A_163] : memref<10000x128xf32, #tpu.memory_space<hbm>> -> memref<10000x128xf32, #tpu.memory_space<hbm>>
    tpu.wait_indirect_dma semaphore(%arg15 : memref<!tpu.dma_semaphore, #tpu.memory_space<semaphore_mem>>) src(%dma_wait3A_164 : memref<10000x128xf32, #tpu.memory_space<hbm>>) dst(%arg11 : memref<80x128xf32, #tpu.memory_space<vmem>>)
    %barrier3A_165 = arith.constant 0 : index
    tpu.barrier barrier_id(%barrier3A_165)
    %scan3A_166 = arith.constant 0 : i32
    %scan3A_167 = arith.constant 0 : i32
    %scan3A_168 = arith.constant 8 : i32
    %scan3A_169 = arith.addi %scan3A_167, %scan3A_168 : i32
    %scan3A_170 = arith.constant 1 : i32
    %scan3A_171 = scf.for %scan3A_173 = %scan3A_167 to %scan3A_169 step %scan3A_170 iter_args(%scan3A_174 = %scan3A_166) -> (i32)  : i32 {
      %mul3A_175 = arith.constant 80 : i32
      %mul3A_176 = arith.muli %scan3A_173, %mul3A_175 : i32
      %add3A_177 = arith.addi %mul3A_2, %mul3A_176 : i32
      "tpu.region"() ({
        %run_scoped3A = tpu.sem_alloc : memref<!tpu.dma_semaphore, #tpu.memory_space<semaphore_mem>>
        %dma_start3A_179 = arith.constant 0 : i32
        %dma_start3A_180 = tpu.memref_slice %arg13[%add3A_177, %dma_start3A_179] : memref<10240x128xf32, #tpu.memory_space<vmem_shared>> -> memref<80x128xf32, #tpu.memory_space<vmem_shared>>
        %dma_start3A_181 = arith.constant 0 : i32
        %dma_start3A_182 = tpu.memref_slice %arg13[%add3A_177, %dma_start3A_181] : memref<10240x128xf32, #tpu.memory_space<vmem_shared>> -> memref<80x128xf32, #tpu.memory_space<vmem_shared>>
        tpu.enqueue_dma source(%dma_start3A_182 : memref<80x128xf32, #tpu.memory_space<vmem_shared>>) target(%arg10 : memref<80x128xf32, #tpu.memory_space<vmem>>) target_semaphore(%run_scoped3A : memref<!tpu.dma_semaphore, #tpu.memory_space<semaphore_mem>>)
        %dma_wait3A_183 = arith.constant 0 : i32
        %dma_wait3A_184 = tpu.memref_slice %arg13[%add3A_177, %dma_wait3A_183] : memref<10240x128xf32, #tpu.memory_space<vmem_shared>> -> memref<80x128xf32, #tpu.memory_space<vmem_shared>>
        %dma_wait3A_185 = arith.constant 0 : i32
        %dma_wait3A_186 = tpu.memref_slice %arg13[%add3A_177, %dma_wait3A_185] : memref<10240x128xf32, #tpu.memory_space<vmem_shared>> -> memref<80x128xf32, #tpu.memory_space<vmem_shared>>
        tpu.wait_dma2 semaphore(%run_scoped3A : memref<!tpu.dma_semaphore, #tpu.memory_space<semaphore_mem>>) src(%dma_wait3A_186 : memref<80x128xf32, #tpu.memory_space<vmem_shared>>) dst(%arg10 : memref<80x128xf32, #tpu.memory_space<vmem>>)
        tpu.yield
      }) : () -> ()
      "tpu.region"() ({
        %run_scoped3A = tpu.sem_alloc : memref<!tpu.dma_semaphore, #tpu.memory_space<semaphore_mem>>
        %dma_start3A_179 = arith.constant 0 : i32
        %dma_start3A_180 = tpu.memref_slice %arg5[%arg0, %add3A_177, %dma_start3A_179] : memref<2x10240x128xf32, #tpu.memory_space<hbm>> -> memref<1x80x128xf32, #tpu.memory_space<hbm>>
        %dma_start3A_181 = tpu.memref_squeeze %dma_start3A_180 : memref<1x80x128xf32, #tpu.memory_space<hbm>> -> memref<80x128xf32, #tpu.memory_space<hbm>>
        %dma_start3A_182 = arith.constant 0 : i32
        %dma_start3A_183 = tpu.memref_slice %arg5[%arg0, %add3A_177, %dma_start3A_182] : memref<2x10240x128xf32, #tpu.memory_space<hbm>> -> memref<1x80x128xf32, #tpu.memory_space<hbm>>
        %dma_start3A_184 = tpu.memref_squeeze %dma_start3A_183 : memref<1x80x128xf32, #tpu.memory_space<hbm>> -> memref<80x128xf32, #tpu.memory_space<hbm>>
        tpu.enqueue_dma source(%arg10 : memref<80x128xf32, #tpu.memory_space<vmem>>) target(%dma_start3A_184 : memref<80x128xf32, #tpu.memory_space<hbm>>) target_semaphore(%run_scoped3A : memref<!tpu.dma_semaphore, #tpu.memory_space<semaphore_mem>>)
        %dma_wait3A_185 = arith.constant 0 : i32
        %dma_wait3A_186 = tpu.memref_slice %arg5[%arg0, %add3A_177, %dma_wait3A_185] : memref<2x10240x128xf32, #tpu.memory_space<hbm>> -> memref<1x80x128xf32, #tpu.memory_space<hbm>>
        %dma_wait3A_187 = tpu.memref_squeeze %dma_wait3A_186 : memref<1x80x128xf32, #tpu.memory_space<hbm>> -> memref<80x128xf32, #tpu.memory_space<hbm>>
        %dma_wait3A_188 = arith.constant 0 : i32
        %dma_wait3A_189 = tpu.memref_slice %arg5[%arg0, %add3A_177, %dma_wait3A_188] : memref<2x10240x128xf32, #tpu.memory_space<hbm>> -> memref<1x80x128xf32, #tpu.memory_space<hbm>>
        %dma_wait3A_190 = tpu.memref_squeeze %dma_wait3A_189 : memref<1x80x128xf32, #tpu.memory_space<hbm>> -> memref<80x128xf32, #tpu.memory_space<hbm>>
        tpu.wait_dma2 semaphore(%run_scoped3A : memref<!tpu.dma_semaphore, #tpu.memory_space<semaphore_mem>>) src(%arg10 : memref<80x128xf32, #tpu.memory_space<vmem>>) dst(%dma_wait3A_190 : memref<80x128xf32, #tpu.memory_space<hbm>>)
        tpu.yield
      }) : () -> ()
      %scan3A_178 = arith.constant 0 : i32
      scf.yield %scan3A_178 : i32
    }
    %scan3A_172 = arith.constant 8 : i32
    "tpu.region"() ({
      %run_scoped3A = tpu.sem_alloc : memref<!tpu.dma_semaphore, #tpu.memory_space<semaphore_mem>>
      %dma_start3A_173 = arith.constant 0 : i32
      %dma_start3A_174 = tpu.memref_slice %arg6[%add3A, %dma_start3A_173] : memref<32x10240xf32, #tpu.memory_space<hbm>> -> memref<1x10240xf32, #tpu.memory_space<hbm>>
      %dma_start3A_175 = tpu.memref_squeeze %dma_start3A_174 : memref<1x10240xf32, #tpu.memory_space<hbm>> -> memref<10240xf32, #tpu.memory_space<hbm>>
      %dma_start3A_176 = arith.constant 0 : i32
      %dma_start3A_177 = tpu.memref_slice %arg6[%add3A, %dma_start3A_176] : memref<32x10240xf32, #tpu.memory_space<hbm>> -> memref<1x10240xf32, #tpu.memory_space<hbm>>
      %dma_start3A_178 = tpu.memref_squeeze %dma_start3A_177 : memref<1x10240xf32, #tpu.memory_space<hbm>> -> memref<10240xf32, #tpu.memory_space<hbm>>
      tpu.enqueue_dma source(%arg12 : memref<10240xf32, #tpu.memory_space<vmem>>) target(%dma_start3A_178 : memref<10240xf32, #tpu.memory_space<hbm>>) target_semaphore(%run_scoped3A : memref<!tpu.dma_semaphore, #tpu.memory_space<semaphore_mem>>)
      %dma_wait3A_179 = arith.constant 0 : i32
      %dma_wait3A_180 = tpu.memref_slice %arg6[%add3A, %dma_wait3A_179] : memref<32x10240xf32, #tpu.memory_space<hbm>> -> memref<1x10240xf32, #tpu.memory_space<hbm>>
      %dma_wait3A_181 = tpu.memref_squeeze %dma_wait3A_180 : memref<1x10240xf32, #tpu.memory_space<hbm>> -> memref<10240xf32, #tpu.memory_space<hbm>>
      %dma_wait3A_182 = arith.constant 0 : i32
      %dma_wait3A_183 = tpu.memref_slice %arg6[%add3A, %dma_wait3A_182] : memref<32x10240xf32, #tpu.memory_space<hbm>> -> memref<1x10240xf32, #tpu.memory_space<hbm>>
      %dma_wait3A_184 = tpu.memref_squeeze %dma_wait3A_183 : memref<1x10240xf32, #tpu.memory_space<hbm>> -> memref<10240xf32, #tpu.memory_space<hbm>>
      tpu.wait_dma2 semaphore(%run_scoped3A : memref<!tpu.dma_semaphore, #tpu.memory_space<semaphore_mem>>) src(%arg12 : memref<10240xf32, #tpu.memory_space<vmem>>) dst(%dma_wait3A_184 : memref<10240xf32, #tpu.memory_space<hbm>>)
      tpu.yield
    }) : () -> ()
    return
  }
}

module attributes {stable_mosaic.version = 14 : i64} {
  func.func @_dense_body(%arg0: i32, %arg1: memref<1024x128xf32, #tpu.memory_space<vmem>>, %arg2: memref<2x1024x128xf32, #tpu.memory_space<vmem>>, %arg3: memref<32x1024xf32, #tpu.memory_space<vmem>>, %arg4: memref<128x128xf32, #tpu.memory_space<vmem>>, %arg5: memref<128x128xf32, #tpu.memory_space<vmem>>, %arg6: memref<1024x128xf32, #tpu.memory_space<vmem>>) attributes {dimension_semantics = [#tpu.dimension_semantics<arbitrary>], iteration_bounds = array<i64: 10>, scalar_prefetch = 0 : i64, scratch_operands = 0 : i64, tpu.core_type = #tpu.core_type<tc>, window_params = [{transform_indices = @transform_0, window_bounds = array<i64: 1024, 128>}, {transform_indices = @transform_1, window_bounds = array<i64: 2, 1024, 128>}, {transform_indices = @transform_2, window_bounds = array<i64: 32, 1024>}, {pipeline_mode = #tpu.pipeline_mode<synchronous>, transform_indices = @transform_3, window_bounds = array<i64: 128, 128>}, {pipeline_mode = #tpu.pipeline_mode<synchronous>, transform_indices = @transform_4, window_bounds = array<i64: 128, 128>}, {transform_indices = @transform_5, window_bounds = array<i64: 1024, 128>}]} {
    %get3A = arith.constant 0 : index
    %get3A_0 = arith.constant 0 : index
    %get3A_1 = arith.constant 0 : index
    %get3A_2 = vector.load %arg2[%get3A, %get3A_0, %get3A_1] : memref<2x1024x128xf32, #tpu.memory_space<vmem>>, vector<1x1024x128xf32>
    %get3A_3 = vector.shape_cast %get3A_2 : vector<1x1024x128xf32> to vector<1024x128xf32>
    %get3A_4 = arith.constant 1 : index
    %get3A_5 = arith.constant 0 : index
    %get3A_6 = arith.constant 0 : index
    %get3A_7 = vector.load %arg2[%get3A_4, %get3A_5, %get3A_6] : memref<2x1024x128xf32, #tpu.memory_space<vmem>>, vector<1x1024x128xf32>
    %get3A_8 = vector.shape_cast %get3A_7 : vector<1x1024x128xf32> to vector<1024x128xf32>
    %add3A = arith.addf %get3A_3, %get3A_8 : vector<1024x128xf32>
    %get3A_9 = arith.constant 0 : index
    %get3A_10 = arith.constant 0 : index
    %get3A_11 = vector.load %arg3[%get3A_9, %get3A_10] : memref<32x1024xf32, #tpu.memory_space<vmem>>, vector<32x1024xf32>
    %broadcast_in_dim3A = arith.constant 1.000000e+00 : f32
    %broadcast_in_dim3A_12 = vector.broadcast %broadcast_in_dim3A : f32 to vector<32x1xf32>
    %dot_general3A = arith.constant dense<0.000000e+00> : vector<1024x1xf32>
    %dot_general3A_13 = tpu.matmul %get3A_11, %broadcast_in_dim3A_12, %dot_general3A {dimension_numbers = #tpu.dot_dimension_numbers<[0], [0], [1], [1], [0, 1, 1, 1], [], []>, transpose_lhs_hint = false} : vector<32x1024xf32>, vector<32x1xf32>, vector<1024x1xf32> -> vector<1024x1xf32>
    %max3A = arith.constant 1.000000e+00 : f32
    %max3A_14 = vector.broadcast %max3A : f32 to vector<1024x1xf32>
    %max3A_15 = arith.maximumf %dot_general3A_13, %max3A_14 : vector<1024x1xf32>
    %div3A = vector.broadcast %max3A_15 : vector<1024x1xf32> to vector<1024x128xf32>
    %div3A_16 = arith.divf %add3A, %div3A : vector<1024x128xf32>
    %get3A_17 = arith.constant 0 : index
    %get3A_18 = arith.constant 0 : index
    %get3A_19 = vector.load %arg1[%get3A_17, %get3A_18] : memref<1024x128xf32, #tpu.memory_space<vmem>>, vector<1024x128xf32>
    %get3A_20 = arith.constant 0 : index
    %get3A_21 = arith.constant 0 : index
    %get3A_22 = vector.load %arg4[%get3A_20, %get3A_21] : memref<128x128xf32, #tpu.memory_space<vmem>>, vector<128x128xf32>
    %dot_general3A_23 = arith.constant dense<0.000000e+00> : vector<1024x128xf32>
    %dot_general3A_24 = tpu.matmul %get3A_19, %get3A_22, %dot_general3A_23 {dimension_numbers = #tpu.dot_dimension_numbers<[1], [0], [0], [1], [0, 0, 1, 1], [], []>, transpose_lhs_hint = false} : vector<1024x128xf32>, vector<128x128xf32>, vector<1024x128xf32> -> vector<1024x128xf32>
    %get3A_25 = arith.constant 0 : index
    %get3A_26 = arith.constant 0 : index
    %get3A_27 = vector.load %arg5[%get3A_25, %get3A_26] : memref<128x128xf32, #tpu.memory_space<vmem>>, vector<128x128xf32>
    %dot_general3A_28 = arith.constant dense<0.000000e+00> : vector<1024x128xf32>
    %dot_general3A_29 = tpu.matmul %div3A_16, %get3A_27, %dot_general3A_28 {dimension_numbers = #tpu.dot_dimension_numbers<[1], [0], [0], [1], [0, 0, 1, 1], [], []>, transpose_lhs_hint = false} : vector<1024x128xf32>, vector<128x128xf32>, vector<1024x128xf32> -> vector<1024x128xf32>
    %add3A_30 = arith.addf %dot_general3A_24, %dot_general3A_29 : vector<1024x128xf32>
    %max3A_31 = arith.constant 0.000000e+00 : f32
    %max3A_32 = vector.broadcast %max3A_31 : f32 to vector<1024x128xf32>
    %max3A_33 = arith.maximumf %add3A_30, %max3A_32 : vector<1024x128xf32>
    %mul3A = arith.mulf %max3A_33, %max3A_33 : vector<1024x128xf32>
    %reduce_sum3A = arith.constant dense<0.000000e+00> : vector<1024xf32>
    %reduce_sum3A_34 = vector.multi_reduction <add>, %mul3A, %reduce_sum3A [1] : vector<1024x128xf32> to vector<1024xf32>
    %broadcast_in_dim3A_35 = vector.shape_cast %reduce_sum3A_34 : vector<1024xf32> to vector<1024x1xf32>
    %sqrt3A = math.sqrt %broadcast_in_dim3A_35 : vector<1024x1xf32>
    %eq3A = arith.constant 0.000000e+00 : f32
    %eq3A_36 = vector.broadcast %eq3A : f32 to vector<1024x1xf32>
    %eq3A_37 = arith.cmpf oeq, %sqrt3A, %eq3A_36 : vector<1024x1xf32>
    %jit3A = arith.constant 1.000000e+00 : f32
    %broadcast_in_dim3A_38 = vector.broadcast %jit3A : f32 to vector<1024x1xf32>
    %select_n3A = arith.select %eq3A_37, %broadcast_in_dim3A_38, %sqrt3A : vector<1024x1xi1>, vector<1024x1xf32>
    %div3A_39 = vector.broadcast %select_n3A : vector<1024x1xf32> to vector<1024x128xf32>
    %div3A_40 = arith.divf %max3A_33, %div3A_39 : vector<1024x128xf32>
    %swap3A = arith.constant 0 : index
    %swap3A_41 = arith.constant 0 : index
    %swap3A_42 = vector.load %arg6[%swap3A, %swap3A_41] : memref<1024x128xf32, #tpu.memory_space<vmem>>, vector<1024x128xf32>
    tpu.vector_store %arg6[%swap3A, %swap3A_41], %div3A_40 {strides = array<i32>} : memref<1024x128xf32, #tpu.memory_space<vmem>>, vector<1024x128xf32>,
    return
  }
  func.func @transform_0(%arg0: i32) -> (i32, i32) {
    %c0_i32 = arith.constant 0 : i32
    %c0_i32_0 = arith.constant 0 : i32
    return %arg0, %c0_i32 : i32, i32
  }
  func.func @transform_1(%arg0: i32) -> (i32, i32, i32) {
    %c0_i32 = arith.constant 0 : i32
    %c0_i32_0 = arith.constant 0 : i32
    %c0_i32_1 = arith.constant 0 : i32
    return %c0_i32, %arg0, %c0_i32_0 : i32, i32, i32
  }
  func.func @transform_2(%arg0: i32) -> (i32, i32) {
    %c0_i32 = arith.constant 0 : i32
    %c0_i32_0 = arith.constant 0 : i32
    return %c0_i32, %arg0 : i32, i32
  }
  func.func @transform_3(%arg0: i32) -> (i32, i32) {
    %c0_i32 = arith.constant 0 : i32
    %c0_i32_0 = arith.constant 0 : i32
    %c0_i32_1 = arith.constant 0 : i32
    return %c0_i32, %c0_i32_0 : i32, i32
  }
  func.func @transform_4(%arg0: i32) -> (i32, i32) {
    %c0_i32 = arith.constant 0 : i32
    %c0_i32_0 = arith.constant 0 : i32
    %c0_i32_1 = arith.constant 0 : i32
    return %c0_i32, %c0_i32_0 : i32, i32
  }
  func.func @transform_5(%arg0: i32) -> (i32, i32) {
    %c0_i32 = arith.constant 0 : i32
    %c0_i32_0 = arith.constant 0 : i32
    return %arg0, %c0_i32 : i32, i32
  }
}

</mosaic_0001>

<sc_bundles>
// kernel: kernel.4.cloned.1.call-start
scs
__scs_entry_jumppad:
0x0: {  	(pc) =	sbr.rel $0x88, $3  }
0x1: {  	(tag) =	ssettag $0x0;
	lr =	simm.s32 $0x1  }
0x2: {  	[smem:$0x3F9C] =	sst lr;
	_ =	strace $0xD0000000  }
0x3: {  	_ = 	snop  }
0x4: {  	_ = 	snop  }
0x5: {  	_ = 	snop  }
0x6: {  	_ = 	snop  }
0x7: {  	_ = 	snop  }
__scs_overlays_trampoline_lowered:
0x8: {  	[smem:$0x3FAB] =	sst s0  }
0x9: {  	[smem:$0x3FAC] =	sst s1  }
0xa: {  	[smem:$0x3FAD] =	sst s2  }
0xb: {  	[smem:$0x3FAE] =	sst s3  }
0xc: {  	[smem:$0x3FAF] =	sst s4  }
0xd: {  	[smem:$0x3FB0] =	sst s5  }
0xe: {  	[smem:$0x3FB1] =	sst s6  }
0xf: {  	[smem:$0x3FB2] =	sst s7  }
0x10: {  	[smem:$0x3FB3] =	sst s8  }
0x11: {  	[smem:$0x3FB4] =	sst s9;
	s0 =	simm.s32 @!p0 $0x0  }
0x12: {  	s1 =	sld [smem:$0x3F9A];
	s0 =	simm.s32 @p0 $0x1  }
0x13: {  	[smem:$0x3FB5] =	sst s0;
	s0 =	simm.s32 @!p1 $0x0  }
0x14: {  	s2 =	sld [smem:$0x3F99];
	s0 =	simm.s32 @p1 $0x1  }
0x15: {  	[smem:$0x3FB6] =	sst s0;
	s0 =	simm.s32 @!p2 $0x0  }
0x16: {  	s3 =	sld [smem:$0x3FDB];
	s0 =	simm.s32 @p2 $0x1  }
0x17: {  	s4 =	simm.s32 $0x1BF5;
	[smem:$0x3FB8] =	sst s0  }
0x18: {  	s0 =	sld [smem:$0x3F9B];
	_ =	swait.ge [sflag:s4], $0x0  }
0x19: {  	s7 =	sld [smem:$0x3F9C]  }
0x1a: {  	s8 =	sadd.s32 $0xFFFFE003, lr  }
0x1b: {  	s9 =	sadd.s32 $0xFFFFFEF7, lr;
	s5 =	simm.s32 $0xFFFFFFFF;
	p2 =	slt.u32 s8, $0xFFFFF086  }
0x1c: {  	p1 =	slt.u32 s9, $0xF7A;
	s5 =	simm.s32 @!p2 $0x0  }
0x1d: {  	s5 =	simm.s32 @p1 $0x1;
	p0 =	seq.s32 s7, s2  }
0x1e: {  	s7 =	smul.u32 @!p0 $0xF7A, s2;
	p2 =	seq.s32 @!p0 s5, $0x0  }
0x1f: {  	s9 =	smul.u32 $0xF7A, s1;
	s8 =	simm.s32 @!p0 $0x1BF5;
	p2 =	por !p2, p0  }
0x20: {  	[sflag:s8] =	ssyncset.s32 @!p0 $0xFFFFF086;
	s6 =	sadd.s32 @!p0 s3, s7;
	s7 =	simm.s32 @!p0 $0x108  }
0x21: {  	s3 =	sadd.s32 s3, s9;
	s6 =	sadd.s32 @!p0 $0x88, s6;
	s7 =	simm.s32 @p2 $0x1082  }
0x22: {  	[simem:s7], [sflag:s8] =	dma.local @!p0 [hbm:s6], $0xF7A  }
0x23: {  	s9 =	sor.u32 $0xD0000000, s2;
	s6 =	simm.s32 $0x108;
	_ =	swait.ge @!p0 [sflag:s8], $0x0  }
0x24: {  	s3 =	sadd.s32 $0x88, s3;
	s6 =	simm.s32 @!p1 $0x1082;
	[sflag:s4] =	ssyncset.s32 $0xFFFFF086  }
0x25: {  	[simem:s6], [sflag:s4] =	dma.local [hbm:s3], $0xF7A  }
0x26: {  	[smem:$0x3F9C] =	sst s1;
	(tag) =	ssettag s2;
	_ =	strace s9  }
0x27: {  	s1 =	sld [smem:$0x3FAC]  }
0x28: {  	s2 =	sld [smem:$0x3FAD]  }
0x29: {  	s4 =	sld [smem:$0x3FAF]  }
0x2a: {  	p0 =	seq.s32 s5, $0x0;
	s5 =	sld [smem:$0x3FB0]  }
0x2b: {  	s6 =	sld [smem:$0x3FB1]  }
0x2c: {  	s7 =	sld [smem:$0x3FB2]  }
0x2d: {  	s3 =	simm.s32 $0x108;
	s8 =	sld [smem:$0x3FB3]  }
0x2e: {  	s3 =	simm.s32 @!p0 $0x1082;
	s9 =	sld [smem:$0x3FB4]  }
0x2f: {  	lr =	sadd.s32 s0, s3;
	s0 =	sld [smem:$0x3FAB]  }
0x30: {  	s3 =	sld [smem:$0x3FAE]  }
0x31: {  	[smem:$0x3FB7] =	sst s10  }
0x32: {  	s10 =	sld [smem:$0x3FB5];
	_ =	sdelay $0x3  }
0x33: {  	p0 =	seq.s32 s10, $0x1;
	s10 =	sld [smem:$0x3FB7];
	_ =	sdelay $0x3  }
0x34: {  	[smem:$0x3FB7] =	sst s10  }
0x35: {  	s10 =	sld [smem:$0x3FB6];
	_ =	sdelay $0x3  }
0x36: {  	p1 =	seq.s32 s10, $0x1;
	s10 =	sld [smem:$0x3FB7];
	_ =	sdelay $0x3  }
0x37: {  	[smem:$0x3FB7] =	sst s10  }
0x38: {  	s10 =	sld [smem:$0x3FB8]  }
0x39: {  	_ = 	snop;
	(pc) =	sbr.ind lr, $3  }
0x3a: {  	_ = 	snop  }
0x3b: {  	_ = 	snop  }
0x3c: {  	p2 =	seq.s32 s10, $0x1;
	s10 =	sld [smem:$0x3FB7]  }
0x3d: {  	_ =	shalt  }
0x3e: {  	_ =	shalt  }
0x3f: {  	_ =	shalt  }
0x40: {  	_ =	shalt  }
0x41: {  	_ =	shalt  }
0x42: {  	_ =	shalt  }
0x43: {  	_ =	shalt  }
0x44: {  	_ =	shalt  }
0x45: {  	_ =	shalt  }
0x46: {  	_ =	shalt  }
0x47: {  	_ =	shalt  }
0x48: {  	_ =	shalt  }
0x49: {  	_ =	shalt  }
0x4a: {  	_ =	shalt  }
0x4b: {  	_ =	shalt  }
0x4c: {  	_ =	shalt  }
0x4d: {  	_ =	shalt  }
0x4e: {  	_ =	shalt  }
0x4f: {  	_ =	shalt  }
0x50: {  	_ =	shalt  }
0x51: {  	_ =	shalt  }
0x52: {  	_ =	shalt  }
0x53: {  	_ =	shalt  }
0x54: {  	_ =	shalt  }
0x55: {  	_ =	shalt  }
0x56: {  	_ =	shalt  }
0x57: {  	_ =	shalt  }
0x58: {  	_ =	shalt  }
0x59: {  	_ =	shalt  }
0x5a: {  	_ =	shalt  }
0x5b: {  	_ =	shalt  }
0x5c: {  	_ =	shalt  }
0x5d: {  	_ =	shalt  }
0x5e: {  	_ =	shalt  }
0x5f: {  	_ =	shalt  }
0x60: {  	_ =	shalt  }
0x61: {  	_ =	shalt  }
0x62: {  	_ =	shalt  }
0x63: {  	_ =	shalt  }
0x64: {  	_ =	shalt  }
0x65: {  	_ =	shalt  }
0x66: {  	_ =	shalt  }
0x67: {  	_ =	shalt  }
0x68: {  	_ =	shalt  }
0x69: {  	_ =	shalt  }
0x6a: {  	_ =	shalt  }
0x6b: {  	_ =	shalt  }
0x6c: {  	_ =	shalt  }
0x6d: {  	_ =	shalt  }
0x6e: {  	_ =	shalt  }
0x6f: {  	_ =	shalt  }
0x70: {  	_ =	shalt  }
0x71: {  	_ =	shalt  }
0x72: {  	_ =	shalt  }
0x73: {  	_ =	shalt  }
0x74: {  	_ =	shalt  }
0x75: {  	_ =	shalt  }
0x76: {  	_ =	shalt  }
0x77: {  	_ =	shalt  }
0x78: {  	_ =	shalt  }
0x79: {  	_ =	shalt  }
0x7a: {  	_ =	shalt  }
0x7b: {  	_ =	shalt  }
0x7c: {  	_ =	shalt  }
0x7d: {  	_ =	shalt  }
0x7e: {  	_ =	shalt  }
0x7f: {  	_ =	shalt  }
0x80: {  	_ =	shalt  }
0x81: {  	_ =	shalt  }
0x82: {  	_ =	shalt  }
0x83: {  	_ =	shalt  }
0x84: {  	_ =	shalt  }
0x85: {  	_ =	shalt  }
0x86: {  	_ =	shalt  }
0x87: {  	_ =	shalt  }
.Lfunc_end0:
.L_simem_size_0:
called_computation_lowered:
.L_overlay_start_0:
0x88: {  	s2 =	sld [smem:$0x3FD9]  }
0x89: {  	s3 =	sld [smem:$0x3FFE];
	_ =	sdelay $0x1  }
0x8a: {  	s1 =	srdreg.scid  }
0x8b: {  	s0 =	sand.u32 $0x1, s1  }
0x8c: {  	s17 =	sshll.u32 s0, $0xA;
	s2 =	sadd.s32 s3, s2  }
0x8d: {  	s2 =	sadd.s32 s2, s17  }
0x8e: {  	[smem:$0x3FC3] =	sst s2  }
0x8f: {  	_ = 	snop  }
0x90: {  	s2 =	sld [smem:$0x3FC9]  }
0x91: {  	s18 =	sld [smem:$0x3FD0];
	(tm) =	ssettm $0x1  }
0x92: {  	s4 =	sld [smem:$0x3FFB];
	_ =	sdelay $0x3  }
0x93: {  	_ =	strace s4  }
0x94: {  	s4 =	sld [smem:$0x3FFC];
	_ =	sdelay $0x3  }
0x95: {  	_ =	strace s4  }
0x96: {  	s4 =	sld [smem:$0x3FFD];
	_ =	sdelay $0x3  }
0x97: {  	_ =	strace s4  }
0x98: {  	_ =	strace $0x8FFFFFFF  }
0x99: {  	s19 =	sld [smem:$0x3FDB];
	_ =	sdelay $0x1  }
0x9a: {  	s5 =	simm.s32 $_scs_section_size  }
0x9b: {  	s6 =	simm.s32 $_size__tile_overlayer_lowered;
	s7 =	simm.s32 $_tile_overlayer_lowered  }
0x9c: {  	s22 =	simm.s32 $0x1BFF;
	s21 =	sshll.u32 s7, $0x1;
	s4 =	sadd.s32 s5, s19  }
0x9d: {  	s8 =	simm.s32 $0x0;
	s20 =	sshll.u32 s6, $0x1;
	s6 =	sadd.s32 s21, s4  }
0x9e: {  	[timem:s8], [sflag:s22] =	dma.local [hbm:s6], s20  }
0x9f: {  	_ =	swait.ge [sflag:s22], s20  }
0xa0: {  	s5 =	ssub.s32 $0x0, s20;
	[sflag:s22] =	ssyncset.done $0x0  }
0xa1: {  	[sflag:s22] =	ssyncadd.s32 s5;
	_ =	sdelay $0x1  }
0xa2: {  	s23 =	simm.s32 $0x1B8B  }
0xa3: {  	_ =	swait.ge [sflag:s23], $0x1  }
0xa4: {  	[sflag:s23] =	ssyncset.done $0x0  }
0xa5: {  	s25 =	simm.s32 $0x1B8E;
	s24 =	sld [smem:$0x3FFE];
	[sflag:s23] =	ssyncadd.s32 $0xFFFFFFFF  }
0xa6: {  	s26 =	simm.s32 $execute0_lowered;
	[smem:$0x3FD2] =	sst s25  }
0xa7: {  	s6 =	sshll.u32 s26, $0x1;
	_ =	strace $0x80000046;
	[dreg:$0x1] =	wrdreg $0xFFFFFFFF  }
0xa8: {  	s28 =	simm.s32 $_size_execute0_lowered;
	s4 =	sadd.s32 s4, s6;
	[dreg:$0x0] =	wrdreg $0x0  }
0xa9: {  	s6 =	sshll.u32 s28, $0x1;
	[dreg:$0x2] =	wrdreg s4  }
0xaa: {  	[dreg:$0x3] =	wrdreg s6  }
0xab: {  	[dreg:$0x4] =	wrdreg $0xC0  }
0xac: {  	_ =	task [dreg:s8], $0x5FFFF  }
0xad: {  	[dreg:$0x1] =	wrdreg $0xFFFFFFFF  }
0xae: {  	[dreg:$0x0] =	wrdreg $0x60  }
0xaf: {  	[dreg:$0x2] =	wrdreg s2  }
0xb0: {  	[dreg:$0x3] =	wrdreg s24  }
0xb1: {  	[dreg:$0x4] =	wrdreg s18  }
0xb2: {  	[dreg:$0x5] =	wrdreg $0xA0800  }
0xb3: {  	[dreg:$0x6] =	wrdreg $0x9  }
0xb4: {  	_ =	task.clear_ibuf [dreg:s8], $0x7FFFF;
	_ =	strace $0x90000046  }
0xb5: {  	s29 =	simm.s32 $0x9;
	_ =	strace $0x80000048  }
0xb6: {  	_ =	swait.ge [sflag:s29], $0x1  }
0xb7: {  	[sflag:s29] =	ssyncadd.s32 $0xFFFFFFFF  }
0xb8: {  	_ =	strace $0x90000048  }
0xb9: {  	_ =	sfence  }
0xba: {  	s30 =	sld [smem:$0x0];
	_ =	sdelay $0x2  }
0xbb: {  	s31 =	sshll.u32 s1, $0xD;
	s1 =	sshrl.u32 s1, $0x2  }
0xbc: {  	s3 =	sand.u32 $0x4000, s31;
	s1 =	sadd.s32 s1, s30  }
0xbd: {  	s0 =	sor.u32 s3, s0;
	s1 =	sshll.u32 s1, $0x11  }
0xbe: {  	s0 =	sor.u32 s1, s0  }
0xbf: {  	s0 =	sadd.s32 $0x8F2B, s0  }
0xc0: {  	[sflag:s0] =	ssyncadd.remote.s32 $0x1  }
0xc1: {  	_ =	sfence.sel $0xFFFF  }
0xc2: {  	[dreg:$0x0] =	wrdreg $0xFFFFFFFF;
	(pc) =	sbr.abs _section_cstart, $3  }
0xc3: {  	[dreg:$0x1] =	wrdreg $0xFFFFFFFF  }
0xc4: {  	_ =	task.clear_ibuf [dreg:s8], $0x2FFFF;
	_ =	strace $0x9FFFFFFF  }
0xc5: {  	(tm) =	ssettm $0x7FFFFFFF  }
tec
execute0_lowered:
.L_overlay_start_1:
0x0: {  	(tag) =	ssettag $0x1  }
0x1: {  	s0 =	rddreg [dreg:$0x0]  }
0x2: {  	s2 =	rddreg [dreg:$0x1]  }
0x3: {  	s1 =	srdreg.scid;
	s5 =	rddreg [dreg:$0x2]  }
0x4: {  	s16 =	stileid.u32;
	s3 =	rddreg [dreg:$0x3]  }
0x5: {  	s1 =	sand.u32 $0x1, s1;
	s8 =	sshll.u32 s16, $0x7;
	s30 =	smul.u32 $0x14000, s16  }
0x6: {  	s12 =	sadd.s32 $0x14C00, s2;
	s29 =	smul.u32 $0x2710, s16;
	s4 =	sshll.u32 s1, $0x4  }
0x7: {  	s9 =	ssub.s32 $0x2, s1;
	s10 =	smul.u32 $0x140000, s1;
	s8 =	sand.u32 $0x380, s8  }
0x8: {  	s1 =	smul.u32 $0x27100, s1;
	s4 =	sor.u32 s16, s4;
	s11 =	sshrl.u32 s9, $0x1  }
0x9: {  	s13 =	sadd.s32 $0x5000, s30;
	s6 =	smul.u32 $0x2710, s4;
	s7 =	sshrl.u32 s4, $0x3  }
0xa: {  	s4 =	simm.s32 $0x0;
	s9 =	ssub.s32 s9, s11;
	s15 =	sadd.s32 s10, s30  }
0xb: {  	s19 =	sadd.s32 s10, s13;
	s11 =	sadd.s32 $0x7800, s30;
	s7 =	smul.u32 $0x14000, s7  }
0xc: {  	s1 =	sadd.s32 s29, s1;
	s20 =	sshrl.u32 s19, $0x3;
	s21 =	sadd.s32 s10, s11  }
0xd: {  	s19 =	sadd.s32 $0xF000, s30;
	[smem:$0x7FF] =	sst s4;
	s7 =	sor.u32 s8, s7  }
0xe: {  	s28 =	sadd.s32 $0xA0, s1;
	s25 =	sadd.s32 s10, s19;
	s7 =	sshrl.u32 s7, $0x3  }
0xf: {  	s6 =	sshrl.u32 s6, $0x3;
	s8 =	sadd.s32 $0x11800, s30;
	s5 =	sadd.s32 s5, s7  }
0x10: {  	s7 =	sor.u32 $0x2800, s30;
	[dreg:$0x5] =	wrdreg s5;
	s5 =	sshrl.u32 s15, $0x3  }
0x11: {  	s17 =	sadd.s32 s10, s7;
	s15 =	sadd.s32 $0xA000, s30;
	s5 =	sadd.s32 s12, s5  }
0x12: {  	s18 =	sshrl.u32 s17, $0x3;
	s14 =	sadd.s32 s10, s15;
	[dreg:$0x6] =	wrdreg s5  }
0x13: {  	s5 =	sadd.s32 s12, s18;
	s18 =	sadd.s32 $0xC800, s30;
	s22 =	sshrl.u32 s14, $0x3  }
0x14: {  	s30 =	smul.u32 $0x50000, s16;
	[dreg:$0x7] =	wrdreg s5;
	s5 =	sadd.s32 s12, s20  }
0x15: {  	s14 =	sadd.s32 $0xAE00, s2;
	[dreg:$0x8] =	wrdreg s5;
	s5 =	sshrl.u32 s21, $0x3  }
0x16: {  	s2 =	sadd.s32 s6, s2;
	s23 =	sadd.s32 s10, s18;
	s5 =	sadd.s32 s12, s5  }
0x17: {  	s24 =	sshrl.u32 s23, $0x3;
	[dreg:$0x9] =	wrdreg s5;
	s5 =	sadd.s32 s12, s22  }
0x18: {  	s10 =	sadd.s32 s10, s8;
	[dreg:$0xa] =	wrdreg s5;
	s5 =	sadd.s32 s12, s24  }
0x19: {  	s2 =	sadd.s32 $0x1000, s2;
	[dreg:$0xb] =	wrdreg s5;
	s5 =	sshrl.u32 s25, $0x3  }
0x1a: {  	s17 =	sadd.s32 s14, s6;
	s26 =	sshrl.u32 s10, $0x3;
	s5 =	sadd.s32 s12, s5  }
0x1b: {  	s20 =	sadd.s32 s13, s3;
	[dreg:$0xc] =	wrdreg s5;
	s5 =	sadd.s32 s12, s26  }
0x1c: {  	s13 =	simm.s32 $0x80;
	s10 =	smax.u32 s9, $0x1;
	[dreg:$0xd] =	wrdreg s5  }
0x1d: {  	s21 =	sadd.s32 s11, s3;
	_ =	strace $0x80000047;
	[dreg:$0xe] =	wrdreg s2  }
0x1e: {  	s23 =	sadd.s32 $0xF0, s1;
	s12 =	sadd.s32 s7, s3;
	[dreg:$0xf] =	wrdreg s10  }
0x1f: {  	s9 =	simm.s32 $0x7;
	s11 =	simm.s32 $0x1;
	[dreg:$0x10] =	wrdreg s12  }
0x20: {  	s22 =	sadd.s32 s15, s3;
	s15 =	simm.s32 $0x6;
	[dreg:$0x11] =	wrdreg s20  }
0x21: {  	s24 =	sadd.s32 s18, s3;
	s18 =	simm.s32 $0x50;
	[dreg:$0x12] =	wrdreg s21  }
0x22: {  	s25 =	sadd.s32 s19, s3;
	s19 =	simm.s32 $0x5080;
	[dreg:$0x13] =	wrdreg s22  }
0x23: {  	s26 =	sadd.s32 s8, s3;
	s7 =	sadd.s32 $0xA, s17;
	[dreg:$0x14] =	wrdreg s24  }
0x24: {  	s8 =	sadd.s32 $0x4D8, s17;
	s5 =	sshrl.u32 s30, $0x2;
	[dreg:$0x15] =	wrdreg s25  }
0x25: {  	s16 =	sadd.s32 s5, s3;
	s2 =	sshrl.u32 s23, $0x3;
	[dreg:$0x16] =	wrdreg s26  }
0x26: {  	s10 =	simm.s32 $0x2880;
	s12 =	simm.s32 $0x5;
	s20 =	simm.s32 $0x7880  }
0x27: {  	s21 =	simm.s32 $0x2;
	s22 =	simm.s32 $0x3;
	s23 =	simm.s32 $0x4  }
0x28: {  	s24 =	simm.s32 $0x0;
	s2 =	sadd.s32 s2, s14;
	s29 =	sadd.s32 $0x2800, s16  }
0x29: {  	s30 =	sadd.s32 $0x5000, s16;
	s31 =	sadd.s32 $0x7800, s16;
	[dreg:$0x17] =	wrdreg s2  }
0x2a: {  	s1 =	sadd.s32 $0xC800, s16;
	s5 =	sadd.s32 $0xF000, s16;
	[dreg:$0x18] =	wrdreg s29  }
0x2b: {  	v0 =	vimm.f32 $0.0e+00;
	v1 =	vimm.f32 $1.000000000e+00;
	s6 =	sadd.s32 $0x11800, s16;
	[dreg:$0x19] =	wrdreg s30;
	s2 =	sadd.s32 $0xA000, s16  }
.LBB2_1:
0x2c: {  	s25 =	rddreg [dreg:$0xe];
	s26 =	simm.s32 $0x100  }
0x2d: {  	[tilespmem:s26], [sflag:$0x7] =	stream.linear.gather [hbm4b:s25+s4], $0x2710, $0x38;
	[tilespmem:$0x1E080] =	vst v63  }
0x2e: {  	_ =	swait.ge [sflag:s9], $0x2710  }
0x2f: {  	[sflag:s9] =	ssyncset.done $0x0  }
0x30: {  	s25 =	simm.s32 $0x0;
	s26 =	simm.s32 $0x200;
	[sflag:s9] =	ssyncadd.s32 $0xFFFFD8F0  }
.LBB2_2:
0x31: {  	p0 =	sne.s32 s26, $0x9E00;
	[tilespmem:s25+$0x28F0] =	vst v0  }
0x32: {  	[tilespmem:s25+$0x2880] =	vst v0  }
0x33: {  	[tilespmem:s25+$0x2890] =	vst v0  }
.Ltmp0:
0x34: {  	[tilespmem:s25+$0x28A0] =	vst v0;
	(pc) =	sbr.rel @p0 .LBB2_2-.Ltmp0, $4  }
0x35: {  	[tilespmem:s25+$0x28B0] =	vst v0  }
0x36: {  	[tilespmem:s25+$0x28C0] =	vst v0  }
0x37: {  	[tilespmem:s25+$0x28D0] =	vst v0  }
0x38: {  	[tilespmem:s25+$0x28E0] =	vst v0;
	s25 =	sshra.s32 s26, $0x2;
	s26 =	sadd.s32 $0x200, s26  }
0x39: {  	[tilespmem:s25+$0x28F0] =	vst v0  }
0x3a: {  	[tilespmem:s25+$0x2880] =	vst v0  }
0x3b: {  	[tilespmem:s25+$0x2890] =	vst v0  }
0x3c: {  	[tilespmem:s25+$0x28A0] =	vst v0  }
0x3d: {  	[tilespmem:s25+$0x28B0] =	vst v0  }
0x3e: {  	[tilespmem:s25+$0x28C0] =	vst v0  }
0x3f: {  	[tilespmem:s25+$0x28D0] =	vst v0  }
0x40: {  	[tilespmem:s25+$0x28E0] =	vst v0;
	s25 =	simm.s32 $0x40;
	s26 =	simm.s32 $0x0  }
.LBB2_4:
0x41: {  	p0 =	sne.s32 s25, $0x9FC0;
	[tilespmem:s26+$0x7880] =	vst v0;
	s26 =	smov.u32 s25;
	s25 =	sadd.s32 $0x40, s25  }
.Ltmp1:
0x42: {  	(pc) =	sbr.rel @p0 .LBB2_4-.Ltmp1, $2  }
0x43: {  	_ =	sdelay $0x2  }
0x44: {  	s26 =	sshra.s32 s26, $0x2  }
0x45: {  	[tilespmem:s26+$0x7880] =	vst v0  }
0x46: {  	[spmem:s16] =	stream.linear.scatter [tilespmem:s10], [sflag:$0x1], $0x2800, $0x38;
	[tilespmem:$0x1E080] =	vst v63  }
0x47: {  	s25 =	rddreg [dreg:$0x18]  }
0x48: {  	[spmem:s25] =	stream.linear.scatter [tilespmem:s10], [sflag:$0x1], $0x2800, $0x38;
	[tilespmem:$0x1E080] =	vst v63  }
0x49: {  	s30 =	rddreg [dreg:$0x19]  }
0x4a: {  	[spmem:s30] =	stream.linear.scatter [tilespmem:s10], [sflag:$0x1], $0x2800, $0x38;
	[tilespmem:$0x1E080] =	vst v63  }
0x4b: {  	_ = 	snop  }
0x4c: {  	[spmem:s31] =	stream.linear.scatter [tilespmem:s10], [sflag:$0x1], $0x2800, $0x38;
	[tilespmem:$0x1E080] =	vst v63  }
0x4d: {  	_ = 	snop  }
0x4e: {  	[spmem:s2] =	stream.linear.scatter [tilespmem:s10], [sflag:$0x1], $0x2800, $0x38;
	[tilespmem:$0x1E080] =	vst v63  }
0x4f: {  	_ = 	snop  }
0x50: {  	[spmem:s1] =	stream.linear.scatter [tilespmem:s10], [sflag:$0x1], $0x2800, $0x38;
	[tilespmem:$0x1E080] =	vst v63  }
0x51: {  	_ = 	snop  }
0x52: {  	[spmem:s5] =	stream.linear.scatter [tilespmem:s10], [sflag:$0x1], $0x2800, $0x38;
	[tilespmem:$0x1E080] =	vst v63  }
0x53: {  	_ = 	snop  }
0x54: {  	[spmem:s6] =	stream.linear.scatter [tilespmem:s10], [sflag:$0x1], $0x2800, $0x38;
	[tilespmem:$0x1E080] =	vst v63  }
0x55: {  	_ =	swait.ge [sflag:s11], $0x2800  }
0x56: {  	[sflag:s11] =	ssyncset.done $0x0  }
0x57: {  	[sflag:s11] =	ssyncadd.s32 $0xFFFFD800  }
0x58: {  	_ =	swait.ge [sflag:s11], $0x2800  }
0x59: {  	[sflag:s11] =	ssyncset.done $0x0  }
0x5a: {  	[sflag:s11] =	ssyncadd.s32 $0xFFFFD800  }
0x5b: {  	_ =	swait.ge [sflag:s11], $0x2800  }
0x5c: {  	[sflag:s11] =	ssyncset.done $0x0  }
0x5d: {  	[sflag:s11] =	ssyncadd.s32 $0xFFFFD800  }
0x5e: {  	_ =	swait.ge [sflag:s11], $0x2800  }
0x5f: {  	[sflag:s11] =	ssyncset.done $0x0  }
0x60: {  	[sflag:s11] =	ssyncadd.s32 $0xFFFFD800  }
0x61: {  	_ =	swait.ge [sflag:s11], $0x2800  }
0x62: {  	[sflag:s11] =	ssyncset.done $0x0  }
0x63: {  	[sflag:s11] =	ssyncadd.s32 $0xFFFFD800  }
0x64: {  	_ =	swait.ge [sflag:s11], $0x2800  }
0x65: {  	[sflag:s11] =	ssyncset.done $0x0  }
0x66: {  	[sflag:s11] =	ssyncadd.s32 $0xFFFFD800  }
0x67: {  	_ =	swait.ge [sflag:s11], $0x2800  }
0x68: {  	[sflag:s11] =	ssyncset.done $0x0  }
0x69: {  	[sflag:s11] =	ssyncadd.s32 $0xFFFFD800  }
0x6a: {  	_ =	swait.ge [sflag:s11], $0x2800  }
0x6b: {  	[sflag:s11] =	ssyncset.done $0x0  }
0x6c: {  	[sflag:s11] =	ssyncadd.s32 $0xFFFFD800  }
0x6d: {  	s25 =	simm.s32 $0x0;
	[bflag:$0x0] =	sbarrier.arrive $0xFFFF  }
0x6e: {  	[tilespmem:s25], [sflag:$0x5] =	stream.linear.gather [hbm4b:s17+s25], $0x50, $0x38;
	[tilespmem:$0x1E080] =	vst v63  }
0x6f: {  	_ =	swait.ge [sflag:s12], $0x50  }
0x70: {  	[sflag:s12] =	ssyncset.done $0x0  }
0x71: {  	[sflag:s12] =	ssyncadd.s32 $0xFFFFFFB0  }
0x72: {  	[tilespmem:s13], [sflag:$0x6] =	stream.linear.gather [hbm4b:s7+s25], $0x50, $0x38;
	[tilespmem:$0x1E080] =	vst v63  }
0x73: {  	_ =	swait.ge [sflag:s15], $0x50  }
0x74: {  	[sflag:s15] =	ssyncset.done $0x0  }
0x75: {  	[sflag:s15] =	ssyncadd.s32 $0xFFFFFFB0  }
0x76: {  	[tilespmem:s10], [sflag:$0x1] =	stream.indirect.gather [hbm4b:s0+s18], $0x80, s25, s18, $0xb8;
	[tilespmem:$0x1E080] =	vst v63  }
0x77: {  	s29 =	simm.s32 $0x150;
	s26 =	rddreg [dreg:$0x17]  }
0x78: {  	[tilespmem:s19], [sflag:$0x2] =	stream.indirect.gather [hbm4b:s0+s18], $0x80, s13, s18, $0xb8;
	[tilespmem:$0x1E080] =	vst v63  }
.LBB2_6:
0x79: {  	_ =	swait.ge [sflag:s11], $0x2800;
	s30 =	sadd.s32 s25, s28  }
0x7a: {  	[sflag:s11] =	ssyncset.done $0x0;
	s30 =	sshrl.u32 s30, $0x3  }
0x7b: {  	[sflag:s11] =	ssyncadd.s32 $0xFFFFD800;
	s30 =	sadd.s32 s14, s30  }
0x7c: {  	[tilespmem:s4], [sflag:$0x5] =	stream.linear.gather [hbm4b:s30+s4], $0x50, $0x38;
	[tilespmem:$0x1E080] =	vst v63  }
0x7d: {  	s30 =	sadd.s32 $0xFFFFFFB0, s29  }
0x7e: {  	[spmem:s3] =	stream.indirect.scatter.add.f32 [tilespmem:s10], [sflag:$0x3], $0x80, s30, s18, $0xb8;
	[tilespmem:$0x1E080] =	vst v63  }
0x7f: {  	v2 =	vld [tilespmem:s29+$0xFFFFFFB0];
	_ =	sdelay $0x7  }
0x80: {  	[tilespmem:v2+s20+$0x0] =	vst.idx.add.f32.msk $0xffff, v1  }
0x81: {  	v2 =	vld [tilespmem:s29+$0xFFFFFFC0];
	_ =	sdelay $0x7  }
0x82: {  	[tilespmem:v2+s20+$0x0] =	vst.idx.add.f32.msk $0xffff, v1  }
0x83: {  	v2 =	vld [tilespmem:s29+$0xFFFFFFD0];
	_ =	sdelay $0x7  }
0x84: {  	[tilespmem:v2+s20+$0x0] =	vst.idx.add.f32.msk $0xffff, v1  }
0x85: {  	v2 =	vld [tilespmem:s29+$0xFFFFFFE0];
	_ =	sdelay $0x7  }
0x86: {  	[tilespmem:v2+s20+$0x0] =	vst.idx.add.f32.msk $0xffff, v1  }
0x87: {  	v2 =	vld [tilespmem:s29+$0xFFFFFFF0];
	_ =	sdelay $0x7  }
0x88: {  	[tilespmem:v2+s20+$0x0] =	vst.idx.add.f32.msk $0xffff, v1  }
0x89: {  	_ =	swait.ge [sflag:s21], $0x2800  }
0x8a: {  	[sflag:s21] =	ssyncset.done $0x0  }
0x8b: {  	[sflag:s21] =	ssyncadd.s32 $0xFFFFD800  }
0x8c: {  	[tilespmem:s13], [sflag:$0x6] =	stream.linear.gather [hbm4b:s26+s4], $0x50, $0x38;
	[tilespmem:$0x1E080] =	vst v63  }
0x8d: {  	_ = 	snop  }
0x8e: {  	[spmem:s3] =	stream.indirect.scatter.add.f32 [tilespmem:s19], [sflag:$0x4], $0x80, s29, s18, $0xb8;
	[tilespmem:$0x1E080] =	vst v63  }
0x8f: {  	v2 =	vld [tilespmem:s29+$0x0];
	_ =	sdelay $0x7  }
0x90: {  	[tilespmem:v2+s20+$0x0] =	vst.idx.add.f32.msk $0xffff, v1  }
0x91: {  	v2 =	vld [tilespmem:s29+$0x10];
	_ =	sdelay $0x7  }
0x92: {  	[tilespmem:v2+s20+$0x0] =	vst.idx.add.f32.msk $0xffff, v1  }
0x93: {  	v2 =	vld [tilespmem:s29+$0x20];
	_ =	sdelay $0x7  }
0x94: {  	s30 =	sand.u32 $0x3FE0, s25;
	[tilespmem:v2+s20+$0x0] =	vst.idx.add.f32.msk $0xffff, v1  }
0x95: {  	v2 =	vld [tilespmem:s30+$0x180];
	_ =	sdelay $0x7  }
0x96: {  	[tilespmem:v2+s20+$0x0] =	vst.idx.add.f32.msk $0xffff, v1  }
0x97: {  	v2 =	vld [tilespmem:s29+$0x40];
	_ =	sdelay $0x7  }
0x98: {  	[tilespmem:v2+s20+$0x0] =	vst.idx.add.f32.msk $0xffff, v1  }
0x99: {  	_ =	swait.ge [sflag:s22], $0x2800  }
0x9a: {  	[sflag:s22] =	ssyncset.done $0x0  }
0x9b: {  	[sflag:s22] =	ssyncadd.s32 $0xFFFFD800  }
0x9c: {  	_ =	swait.ge [sflag:s12], $0x50  }
0x9d: {  	[sflag:s12] =	ssyncset.done $0x0  }
0x9e: {  	[sflag:s12] =	ssyncadd.s32 $0xFFFFFFB0  }
0x9f: {  	[tilespmem:s10], [sflag:$0x1] =	stream.indirect.gather [hbm4b:s0+s18], $0x80, s4, s18, $0xb8;
	[tilespmem:$0x1E080] =	vst v63  }
0xa0: {  	_ =	swait.ge [sflag:s23], $0x2800  }
0xa1: {  	p0 =	sne.s32 s25, $0x2580;
	[sflag:s23] =	ssyncset.done $0x0  }
.Ltmp2:
0xa2: {  	[sflag:s23] =	ssyncadd.s32 $0xFFFFD800;
	(pc) =	sbr.rel @p0 .LBB2_6-.Ltmp2, $4  }
0xa3: {  	_ =	swait.ge [sflag:s15], $0x50  }
0xa4: {  	s25 =	sadd.s32 $0xA0, s25;
	[sflag:s15] =	ssyncset.done $0x0  }
0xa5: {  	s26 =	sadd.s32 $0x14, s26;
	s29 =	sadd.s32 $0xA0, s29;
	[sflag:s15] =	ssyncadd.s32 $0xFFFFFFB0  }
0xa6: {  	[tilespmem:s19], [sflag:$0x2] =	stream.indirect.gather [hbm4b:s0+s18], $0x80, s13, s18, $0xb8;
	[tilespmem:$0x1E080] =	vst v63  }
0xa7: {  	_ =	swait.ge [sflag:s11], $0x2800  }
0xa8: {  	[sflag:s11] =	ssyncset.done $0x0  }
0xa9: {  	[sflag:s11] =	ssyncadd.s32 $0xFFFFD800  }
0xaa: {  	[tilespmem:s4], [sflag:$0x5] =	stream.linear.gather [hbm4b:s8+s4], $0x50, $0x38;
	[tilespmem:$0x1E080] =	vst v63  }
0xab: {  	s25 =	simm.s32 $0x2720  }
0xac: {  	[spmem:s3] =	stream.indirect.scatter.add.f32 [tilespmem:s10], [sflag:$0x3], $0x80, s25, s18, $0xb8;
	[tilespmem:$0x1E080] =	vst v63  }
0xad: {  	v2 =	vld [tilespmem:$0x2720];
	_ =	sdelay $0x7  }
0xae: {  	[tilespmem:v2+s20+$0x0] =	vst.idx.add.f32.msk $0xffff, v1  }
0xaf: {  	v2 =	vld [tilespmem:$0x2730];
	_ =	sdelay $0x7  }
0xb0: {  	[tilespmem:v2+s20+$0x0] =	vst.idx.add.f32.msk $0xffff, v1  }
0xb1: {  	v2 =	vld [tilespmem:$0x2740];
	_ =	sdelay $0x7  }
0xb2: {  	[tilespmem:v2+s20+$0x0] =	vst.idx.add.f32.msk $0xffff, v1  }
0xb3: {  	v2 =	vld [tilespmem:$0x2750];
	_ =	sdelay $0x7  }
0xb4: {  	[tilespmem:v2+s20+$0x0] =	vst.idx.add.f32.msk $0xffff, v1  }
0xb5: {  	v2 =	vld [tilespmem:$0x2760];
	_ =	sdelay $0x7  }
0xb6: {  	[tilespmem:v2+s20+$0x0] =	vst.idx.add.f32.msk $0xffff, v1  }
0xb7: {  	_ =	swait.ge [sflag:s21], $0x2800  }
0xb8: {  	[sflag:s21] =	ssyncset.done $0x0  }
0xb9: {  	[sflag:s21] =	ssyncadd.s32 $0xFFFFD800  }
0xba: {  	[tilespmem:s13], [sflag:$0x6] =	stream.linear.gather [hbm4b:s8+s4], $0x50, $0x38;
	[tilespmem:$0x1E080] =	vst v63  }
0xbb: {  	s30 =	simm.s32 $0x2770  }
0xbc: {  	[spmem:s3] =	stream.indirect.scatter.add.f32 [tilespmem:s19], [sflag:$0x4], $0x80, s30, s18, $0xb8;
	[tilespmem:$0x1E080] =	vst v63  }
0xbd: {  	v2 =	vld [tilespmem:$0x2770];
	_ =	sdelay $0x7  }
0xbe: {  	[tilespmem:v2+s20+$0x0] =	vst.idx.add.f32.msk $0xffff, v1  }
0xbf: {  	v2 =	vld [tilespmem:$0x2780];
	_ =	sdelay $0x7  }
0xc0: {  	[tilespmem:v2+s20+$0x0] =	vst.idx.add.f32.msk $0xffff, v1  }
0xc1: {  	v2 =	vld [tilespmem:$0x2790];
	_ =	sdelay $0x7  }
0xc2: {  	[tilespmem:v2+s20+$0x0] =	vst.idx.add.f32.msk $0xffff, v1  }
0xc3: {  	v2 =	vld [tilespmem:$0x27A0];
	_ =	sdelay $0x7  }
0xc4: {  	[tilespmem:v2+s20+$0x0] =	vst.idx.add.f32.msk $0xffff, v1  }
0xc5: {  	v2 =	vld [tilespmem:$0x27B0];
	_ =	sdelay $0x7  }
0xc6: {  	[tilespmem:v2+s20+$0x0] =	vst.idx.add.f32.msk $0xffff, v1  }
0xc7: {  	_ =	swait.ge [sflag:s22], $0x2800  }
0xc8: {  	[sflag:s22] =	ssyncset.done $0x0  }
0xc9: {  	[sflag:s22] =	ssyncadd.s32 $0xFFFFD800  }
0xca: {  	_ =	swait.ge [sflag:s12], $0x50  }
0xcb: {  	[sflag:s12] =	ssyncset.done $0x0  }
0xcc: {  	[sflag:s12] =	ssyncadd.s32 $0xFFFFFFB0  }
0xcd: {  	[tilespmem:s10], [sflag:$0x1] =	stream.indirect.gather [hbm4b:s0+s18], $0x80, s4, s18, $0xb8;
	[tilespmem:$0x1E080] =	vst v63  }
0xce: {  	_ =	swait.ge [sflag:s23], $0x2800  }
0xcf: {  	[sflag:s23] =	ssyncset.done $0x0  }
0xd0: {  	[sflag:s23] =	ssyncadd.s32 $0xFFFFD800  }
0xd1: {  	_ =	swait.ge [sflag:s15], $0x50  }
0xd2: {  	[sflag:s15] =	ssyncset.done $0x0  }
0xd3: {  	[sflag:s15] =	ssyncadd.s32 $0xFFFFFFB0  }
0xd4: {  	[tilespmem:s19], [sflag:$0x2] =	stream.indirect.gather [hbm4b:s0+s18], $0x80, s13, s18, $0xb8;
	[tilespmem:$0x1E080] =	vst v63  }
0xd5: {  	_ =	swait.ge [sflag:s11], $0x2800  }
0xd6: {  	[sflag:s11] =	ssyncset.done $0x0  }
0xd7: {  	s26 =	simm.s32 $0x27C0;
	[sflag:s11] =	ssyncadd.s32 $0xFFFFD800  }
0xd8: {  	[spmem:s3] =	stream.indirect.scatter.add.f32 [tilespmem:s10], [sflag:$0x3], $0x80, s26, s18, $0xb8;
	[tilespmem:$0x1E080] =	vst v63  }
0xd9: {  	v2 =	vld [tilespmem:$0x27C0];
	_ =	sdelay $0x7  }
0xda: {  	[tilespmem:v2+s20+$0x0] =	vst.idx.add.f32.msk $0xffff, v1  }
0xdb: {  	v2 =	vld [tilespmem:$0x27D0];
	_ =	sdelay $0x7  }
0xdc: {  	[tilespmem:v2+s20+$0x0] =	vst.idx.add.f32.msk $0xffff, v1  }
0xdd: {  	v2 =	vld [tilespmem:$0x27E0];
	_ =	sdelay $0x7  }
0xde: {  	[tilespmem:v2+s20+$0x0] =	vst.idx.add.f32.msk $0xffff, v1  }
0xdf: {  	v2 =	vld [tilespmem:$0x27F0];
	_ =	sdelay $0x7  }
0xe0: {  	[tilespmem:v2+s20+$0x0] =	vst.idx.add.f32.msk $0xffff, v1  }
0xe1: {  	v2 =	vld [tilespmem:$0x2800];
	_ =	sdelay $0x7  }
0xe2: {  	[tilespmem:v2+s20+$0x0] =	vst.idx.add.f32.msk $0xffff, v1  }
0xe3: {  	_ =	swait.ge [sflag:s22], $0x2800  }
0xe4: {  	[sflag:s22] =	ssyncset.done $0x0  }
0xe5: {  	[sflag:s22] =	ssyncadd.s32 $0xFFFFD800  }
0xe6: {  	_ =	swait.ge [sflag:s21], $0x2800  }
0xe7: {  	[sflag:s21] =	ssyncset.done $0x0  }
0xe8: {  	[sflag:s21] =	ssyncadd.s32 $0xFFFFD800  }
0xe9: {  	[bflag:$0x0] =	sbarrier.arrive $0xFFFF  }
0xea: {  	[tilespmem:s10], [sflag:$0x7] =	stream.linear.gather [spmem:s16], $0x2800, $0x38;
	[tilespmem:$0x1E080] =	vst v63  }
0xeb: {  	_ =	swait.ge [sflag:s9], $0x2800  }
0xec: {  	[sflag:s9] =	ssyncset.done $0x0  }
0xed: {  	s29 =	rddreg [dreg:$0x6];
	[sflag:s9] =	ssyncadd.s32 $0xFFFFD800  }
0xee: {  	[hbm4b:s29+s4] =	stream.linear.scatter [tilespmem:s10], [sflag:$0x7], $0x2800, $0x38;
	[tilespmem:$0x1E080] =	vst v63  }
0xef: {  	_ =	swait.ge [sflag:s9], $0x2800  }
0xf0: {  	[sflag:s9] =	ssyncset.done $0x0  }
0xf1: {  	s30 =	rddreg [dreg:$0x10];
	[sflag:s9] =	ssyncadd.s32 $0xFFFFD800  }
0xf2: {  	[tilespmem:s10], [sflag:$0x7] =	stream.linear.gather [spmem:s30], $0x2800, $0x38;
	[tilespmem:$0x1E080] =	vst v63  }
0xf3: {  	_ =	swait.ge [sflag:s9], $0x2800  }
0xf4: {  	[sflag:s9] =	ssyncset.done $0x0  }
0xf5: {  	s26 =	rddreg [dreg:$0x7];
	[sflag:s9] =	ssyncadd.s32 $0xFFFFD800  }
0xf6: {  	[hbm4b:s26+s4] =	stream.linear.scatter [tilespmem:s10], [sflag:$0x7], $0x2800, $0x38;
	[tilespmem:$0x1E080] =	vst v63  }
0xf7: {  	_ =	swait.ge [sflag:s9], $0x2800  }
0xf8: {  	[sflag:s9] =	ssyncset.done $0x0  }
0xf9: {  	s29 =	rddreg [dreg:$0x11];
	[sflag:s9] =	ssyncadd.s32 $0xFFFFD800  }
0xfa: {  	[tilespmem:s10], [sflag:$0x7] =	stream.linear.gather [spmem:s29], $0x2800, $0x38;
	[tilespmem:$0x1E080] =	vst v63  }
0xfb: {  	_ =	swait.ge [sflag:s9], $0x2800  }
0xfc: {  	[sflag:s9] =	ssyncset.done $0x0  }
0xfd: {  	s30 =	rddreg [dreg:$0x8];
	[sflag:s9] =	ssyncadd.s32 $0xFFFFD800  }
0xfe: {  	[hbm4b:s30+s4] =	stream.linear.scatter [tilespmem:s10], [sflag:$0x7], $0x2800, $0x38;
	[tilespmem:$0x1E080] =	vst v63  }
0xff: {  	_ =	swait.ge [sflag:s9], $0x2800  }
0x100: {  	[sflag:s9] =	ssyncset.done $0x0  }
0x101: {  	s26 =	rddreg [dreg:$0x12];
	[sflag:s9] =	ssyncadd.s32 $0xFFFFD800  }
0x102: {  	[tilespmem:s10], [sflag:$0x7] =	stream.linear.gather [spmem:s26], $0x2800, $0x38;
	[tilespmem:$0x1E080] =	vst v63  }
0x103: {  	_ =	swait.ge [sflag:s9], $0x2800  }
0x104: {  	[sflag:s9] =	ssyncset.done $0x0  }
0x105: {  	s29 =	rddreg [dreg:$0x9];
	[sflag:s9] =	ssyncadd.s32 $0xFFFFD800  }
0x106: {  	[hbm4b:s29+s4] =	stream.linear.scatter [tilespmem:s10], [sflag:$0x7], $0x2800, $0x38;
	[tilespmem:$0x1E080] =	vst v63  }
0x107: {  	_ =	swait.ge [sflag:s9], $0x2800  }
0x108: {  	[sflag:s9] =	ssyncset.done $0x0  }
0x109: {  	s30 =	rddreg [dreg:$0x13];
	[sflag:s9] =	ssyncadd.s32 $0xFFFFD800  }
0x10a: {  	[tilespmem:s10], [sflag:$0x7] =	stream.linear.gather [spmem:s30], $0x2800, $0x38;
	[tilespmem:$0x1E080] =	vst v63  }
0x10b: {  	_ =	swait.ge [sflag:s9], $0x2800  }
0x10c: {  	[sflag:s9] =	ssyncset.done $0x0  }
0x10d: {  	s26 =	rddreg [dreg:$0xa];
	[sflag:s9] =	ssyncadd.s32 $0xFFFFD800  }
0x10e: {  	[hbm4b:s26+s4] =	stream.linear.scatter [tilespmem:s10], [sflag:$0x7], $0x2800, $0x38;
	[tilespmem:$0x1E080] =	vst v63  }
0x10f: {  	_ =	swait.ge [sflag:s9], $0x2800  }
0x110: {  	[sflag:s9] =	ssyncset.done $0x0  }
0x111: {  	s29 =	rddreg [dreg:$0x14];
	[sflag:s9] =	ssyncadd.s32 $0xFFFFD800  }
0x112: {  	[tilespmem:s10], [sflag:$0x7] =	stream.linear.gather [spmem:s29], $0x2800, $0x38;
	[tilespmem:$0x1E080] =	vst v63  }
0x113: {  	_ =	swait.ge [sflag:s9], $0x2800  }
0x114: {  	[sflag:s9] =	ssyncset.done $0x0  }
0x115: {  	s30 =	rddreg [dreg:$0xb];
	[sflag:s9] =	ssyncadd.s32 $0xFFFFD800  }
0x116: {  	[hbm4b:s30+s4] =	stream.linear.scatter [tilespmem:s10], [sflag:$0x7], $0x2800, $0x38;
	[tilespmem:$0x1E080] =	vst v63  }
0x117: {  	_ =	swait.ge [sflag:s9], $0x2800  }
0x118: {  	[sflag:s9] =	ssyncset.done $0x0  }
0x119: {  	s26 =	rddreg [dreg:$0x15];
	[sflag:s9] =	ssyncadd.s32 $0xFFFFD800  }
0x11a: {  	[tilespmem:s10], [sflag:$0x7] =	stream.linear.gather [spmem:s26], $0x2800, $0x38;
	[tilespmem:$0x1E080] =	vst v63  }
0x11b: {  	_ =	swait.ge [sflag:s9], $0x2800  }
0x11c: {  	[sflag:s9] =	ssyncset.done $0x0  }
0x11d: {  	s29 =	rddreg [dreg:$0xc];
	[sflag:s9] =	ssyncadd.s32 $0xFFFFD800  }
0x11e: {  	[hbm4b:s29+s4] =	stream.linear.scatter [tilespmem:s10], [sflag:$0x7], $0x2800, $0x38;
	[tilespmem:$0x1E080] =	vst v63  }
0x11f: {  	_ =	swait.ge [sflag:s9], $0x2800  }
0x120: {  	[sflag:s9] =	ssyncset.done $0x0  }
0x121: {  	s30 =	rddreg [dreg:$0x16];
	[sflag:s9] =	ssyncadd.s32 $0xFFFFD800  }
0x122: {  	[tilespmem:s10], [sflag:$0x7] =	stream.linear.gather [spmem:s30], $0x2800, $0x38;
	[tilespmem:$0x1E080] =	vst v63  }
0x123: {  	_ =	swait.ge [sflag:s9], $0x2800  }
0x124: {  	[sflag:s9] =	ssyncset.done $0x0  }
0x125: {  	s26 =	rddreg [dreg:$0xd];
	[sflag:s9] =	ssyncadd.s32 $0xFFFFD800  }
0x126: {  	[hbm4b:s26+s4] =	stream.linear.scatter [tilespmem:s10], [sflag:$0x7], $0x2800, $0x38;
	[tilespmem:$0x1E080] =	vst v63  }
0x127: {  	_ =	swait.ge [sflag:s9], $0x2800  }
0x128: {  	[sflag:s9] =	ssyncset.done $0x0  }
0x129: {  	s26 =	simm.s32 $0x400;
	s29 =	rddreg [dreg:$0x5];
	[sflag:s9] =	ssyncadd.s32 $0xFFFFD800  }
0x12a: {  	[hbm4b:s29+s13] =	stream.strided.scatter [tilespmem:s20], [sflag:$0x7], $0x2800, s26, s13, $0x38;
	[tilespmem:$0x1E080] =	vst v63  }
0x12b: {  	_ =	swait.ge [sflag:s9], $0x2800  }
0x12c: {  	s24 =	sadd.s32 $0x1, s24;
	s30 =	rddreg [dreg:$0xf]  }
0x12d: {  	p0 =	sne.s32 s24, s30  }
.Ltmp3:
0x12e: {  	_ = 	snop;
	(pc) =	sbr.rel @p0 .LBB2_1-.Ltmp3, $3  }
0x12f: {  	_ =	sdelay $0x1  }
0x130: {  	[sflag:s9] =	ssyncset.done $0x0  }
0x131: {  	[sflag:s9] =	ssyncadd.s32 $0xFFFFD800  }
0x132: {  	_ =	sfence.sel $0x180000  }
0x133: {  	[bflag:$0x0] =	sbarrier.arrive $0xFFFF  }
0x134: {  	_ =	strace $0x90000047  }
0x135: {  	s0 =	stileid.u32;
	[bflag:$0x2] =	sbarrier.arrive $0xFFFF  }
0x136: {  	p0 =	sne.s32 s0, $0x0;
	s0 =	rddreg [dreg:$0x4]  }
0x137: {  	s0 =	sadd.s32 @!p0 $0x100000, s0  }
0x138: {  	[sflag:s0] =	ssyncadd.tile.s32 @!p0 $0x1;
	_ =	shalt  }
.Lfunc_end2:
_tile_overlayer_lowered:
.L_overlay_start_2:
0x139: {  	(tag) =	ssettag $0x2  }
0x13a: {  	s0 =	rddreg [dreg:$0x0];
	s2 =	stileid.u32  }
0x13b: {  	s1 =	rddreg [dreg:$0x1];
	p0 =	sne.s32 s2, $0x0  }
0x13c: {  	s3 =	rddreg [dreg:$0x2];
	[bflag:$0x3] =	sbarrier.arrive $0xFFFF;
	s2 =	simm.s32 @!p0 $0x1C07  }
0x13d: {  	[timem:s3], [sflag:s2] =	dma.local @!p0 [hbm:s0], s1  }
0x13e: {  	s0 =	simm.s32 @!p0 $0x7  }
0x13f: {  	_ =	swait.ge @!p0 [sflag:s0], s1  }
0x140: {  	s1 =	ssub.s32 @!p0 $0x0, s1;
	[sflag:s0] =	ssyncset.done @!p0 $0x0  }
0x141: {  	[sflag:s0] =	ssyncadd.s32 @!p0 s1  }
0x142: {  	[bflag:$0x3] =	sbarrier.arrive $0xFFFF  }
0x143: {  	_ =	shalt  }

</sc_bundles>
